<compile_context>
chip_gen: v7x
topology: tpu7x:2x2x1
jax: 0.10.2.dev20260603
libtpu: 0.0.44.dev20260713+nightly
codegen_flags: <defaults>
</compile_context>

<pallas_src>
import functools
from functools import partial

import jax
import jax.numpy as jnp
from jax import lax
from jax.experimental import pallas as pl
from jax.experimental.pallas import tpu as pltpu
from jax.experimental.pallas import tpu_sc as plsc


S = 256
K = 32
BLK_ROWS = 2048
GROUPS_PER_BLK = BLK_ROWS // K


def _fps_body(cxyz_ref, out_ref):
    cx = cxyz_ref[0]
    cy = cxyz_ref[1]
    cz = cxyz_ref[2]
    B, N = cx.shape
    lane = jax.lax.broadcasted_iota(jnp.int32, (B, N), 1)
    diag = (jax.lax.broadcasted_iota(jnp.int32, (B, B), 0)
            == jax.lax.broadcasted_iota(jnp.int32, (B, B), 1))

    def body(i, carry):
        dist, far = carry
        far_lanes = jnp.max(jnp.where(diag, jnp.broadcast_to(far, (B, B)), 0),
                            axis=0, keepdims=True)
        out_ref[pl.ds(i, 1)] = far_lanes.reshape(1, 1, B)
        sel = lane == far[:, :1]
        px = jnp.max(jnp.where(sel, cx, -jnp.inf), axis=1, keepdims=True)
        py = jnp.max(jnp.where(sel, cy, -jnp.inf), axis=1, keepdims=True)
        pz = jnp.max(jnp.where(sel, cz, -jnp.inf), axis=1, keepdims=True)
        dx = cx - px
        dy = cy - py
        dz = cz - pz
        d = dx * dx + dy * dy + dz * dz
        dist = jnp.minimum(dist, d)
        m = jnp.max(dist, axis=1, keepdims=True)
        far = jnp.min(jnp.where(dist == m, lane, N), axis=1, keepdims=True)
        return dist, far

    dist0 = jnp.full((B, N), 1e10, dtype=jnp.float32)
    far0 = jnp.zeros((B, 1), dtype=jnp.int32)
    jax.lax.fori_loop(0, S, body, (dist0, far0))


def _fps(coords, s):
    B = coords.shape[0]
    cxyz = jnp.transpose(coords, (2, 0, 1))
    out = pl.pallas_call(
        _fps_body,
        out_shape=jax.ShapeDtypeStruct((s, 1, B), jnp.int32),
    )(cxyz)
    return jnp.transpose(out[:, 0, :], (1, 0))



def _knn_body(nxyz_ref, cxyz_ref, out_ref, acc_ref):
    b = pl.program_id(0)
    sx = nxyz_ref[0, :, 0:1]
    sy = nxyz_ref[0, :, 1:2]
    sz = nxyz_ref[0, :, 2:3]
    nx = cxyz_ref[0, 0:1, :]
    ny = cxyz_ref[0, 1:2, :]
    nz = cxyz_ref[0, 2:3, :]
    N = nx.shape[1]
    s2 = sx * sx + sy * sy + sz * sz
    n2 = nx * nx + ny * ny + nz * nz
    dot = jax.lax.dot_general(
        nxyz_ref[0].astype(jnp.bfloat16), cxyz_ref[0].astype(jnp.bfloat16),
        (((1,), (0,)), ((), ())), preferred_element_type=jnp.float32)
    d = (s2 - 2.0 * dot) + n2
    lane = jax.lax.broadcasted_iota(jnp.int32, d.shape, 1)
    lane_k = jax.lax.broadcasted_iota(jnp.int32, (d.shape[0], K), 1)
    big = jnp.float32(3.0e38)

    def body(i, dcur):
        m = jnp.min(dcur, axis=1, keepdims=True)
        am = jnp.min(jnp.where(dcur == m, lane, N), axis=1, keepdims=True)
        acc_ref[...] = jnp.where(lane_k == i,
                                 jnp.broadcast_to(am + b * N, lane_k.shape),
                                 acc_ref[...])
        return jnp.where(lane == am, big, dcur)

    jax.lax.fori_loop(0, K, body, d)
    out_ref[0] = acc_ref[...]


def _knn_gidx(new_xyz, coords_t):
    B = new_xyz.shape[0]
    return pl.pallas_call(
        _knn_body,
        grid=(B,),
        in_specs=[
            pl.BlockSpec((1, S, 3), lambda i: (i, 0, 0)),
            pl.BlockSpec((1, 3, coords_t.shape[2]), lambda i: (i, 0, 0)),
        ],
        out_specs=pl.BlockSpec((1, S, K), lambda i: (i, 0, 0)),
        out_shape=jax.ShapeDtypeStruct((B, S, K), jnp.int32),
        scratch_shapes=[pltpu.VMEM((S, K), jnp.int32)],
    )(new_xyz, coords_t)



_NW = 32
_GCH = 256


def _gather_rows(table, gidx):
    M = gidx.shape[0]
    D = table.shape[1]
    per_w = M // _NW
    nch = per_w // _GCH
    mesh = plsc.VectorSubcoreMesh(core_axis_name="c", subcore_axis_name="s")

    @functools.partial(
        pl.kernel, mesh=mesh,
        out_type=jax.ShapeDtypeStruct((M, D), table.dtype),
        scratch_types=[
            pltpu.VMEM((per_w,), jnp.int32),
            pltpu.VMEM((_GCH, D), table.dtype),
            pltpu.SemaphoreType.DMA,
        ],
    )
    def k(table_hbm, idx_hbm, out_hbm, idx_v, rows_v, sem):
        wid = lax.axis_index("s") * 2 + lax.axis_index("c")
        base = wid * per_w
        pltpu.sync_copy(idx_hbm.at[pl.ds(base, per_w)], idx_v)
        for c in range(nch):
            pltpu.async_copy(
                table_hbm.at[idx_v.at[pl.ds(c * _GCH, _GCH)]], rows_v, sem).wait()
            pltpu.sync_copy(rows_v, out_hbm.at[pl.ds(base + c * _GCH, _GCH)])

    return k(table, gidx)



def _tmat_body(c_ref, wd_ref, t_ref):
    c = c_ref[...].astype(jnp.bfloat16)
    wd = wd_ref[...].astype(jnp.bfloat16)
    t_ref[...] = jax.lax.dot_general(
        c, wd, (((1,), (1,)), ((), ())),
        preferred_element_type=jnp.float32)


def _pass1_body(g_ref, t_ref, w1a_ref, sums_ref):
    i = pl.program_id(0)
    g = g_ref[...].astype(jnp.bfloat16)
    w1a = w1a_ref[...].astype(jnp.bfloat16)
    h1 = jax.lax.dot_general(g, w1a, (((1,), (1,)), ((), ())),
                             preferred_element_type=jnp.float32)
    t = t_ref[...]
    h1 = (h1.reshape(GROUPS_PER_BLK, K, 256) + t[:, None, :]).reshape(BLK_ROWS, 256)

    @pl.when(i == 0)
    def _():
        sums_ref[...] = jnp.zeros_like(sums_ref)

    s1 = jnp.sum(h1, axis=0)
    s2 = jnp.sum(h1 * h1, axis=0)
    sums_ref[...] += jnp.stack([s1, s2], axis=0)


def _pass2_body(g_ref, t_ref, w1a_ref, w2_ref, aff1_ref,
                omax_ref, sums2_ref):
    i = pl.program_id(0)
    g = g_ref[...].astype(jnp.bfloat16)
    w1a = w1a_ref[...].astype(jnp.bfloat16)
    h1 = jax.lax.dot_general(g, w1a, (((1,), (1,)), ((), ())),
                             preferred_element_type=jnp.float32)
    t = t_ref[...]
    h1 = (h1.reshape(GROUPS_PER_BLK, K, 256) + t[:, None, :]).reshape(BLK_ROWS, 256)
    scale1 = aff1_ref[0, :]
    shift1 = aff1_ref[1, :]
    r1 = jnp.maximum(h1 * scale1[None, :] + shift1[None, :], 0.0)
    r1 = r1.astype(jnp.bfloat16)
    w2 = w2_ref[...].astype(jnp.bfloat16)
    h2 = jax.lax.dot_general(r1, w2, (((1,), (1,)), ((), ())),
                             preferred_element_type=jnp.float32)

    @pl.when(i == 0)
    def _():
        sums2_ref[...] = jnp.zeros_like(sums2_ref)

    s1 = jnp.sum(h2, axis=0)
    s2 = jnp.sum(h2 * h2, axis=0)
    sums2_ref[...] += jnp.stack([s1, s2], axis=0)
    omax_ref[...] = jnp.max(h2.reshape(GROUPS_PER_BLK, K, 256), axis=1)


def _finish_body(omax_ref, aff2_ref, out_ref):
    scale2 = aff2_ref[0, :]
    shift2 = aff2_ref[1, :]
    out_ref[...] = jnp.maximum(omax_ref[...] * scale2[None, :] + shift2[None, :], 0.0)


def _mlp(g2d, c2d, W1, b1, g1, beta1, W2, b2, g2, beta2):
    M = g2d.shape[0]
    BS = c2d.shape[0]
    nblk = M // BLK_ROWS
    D = g2d.shape[1]
    W1a = W1[:, :D]
    Wd = W1[:, D:] - W1[:, :D]

    t = pl.pallas_call(
        _tmat_body,
        out_shape=jax.ShapeDtypeStruct((BS, 256), jnp.float32),
    )(c2d, Wd)

    sums1 = pl.pallas_call(
        _pass1_body,
        grid=(nblk,),
        in_specs=[
            pl.BlockSpec((BLK_ROWS, D), lambda i: (i, 0)),
            pl.BlockSpec((GROUPS_PER_BLK, 256), lambda i: (i, 0)),
            pl.BlockSpec((256, D), lambda i: (0, 0)),
        ],
        out_specs=pl.BlockSpec((2, 256), lambda i: (0, 0)),
        out_shape=jax.ShapeDtypeStruct((2, 256), jnp.float32),
    )(g2d, t, W1a)

    eps = 1e-5
    mean1 = sums1[0] / M
    var1 = sums1[1] / M - mean1 * mean1
    rstd1 = jax.lax.rsqrt(var1 + eps)
    scale1 = g1 * rstd1
    shift1 = beta1 - mean1 * scale1
    aff1 = jnp.stack([scale1, shift1], axis=0)

    omax, sums2 = pl.pallas_call(
        _pass2_body,
        grid=(nblk,),
        in_specs=[
            pl.BlockSpec((BLK_ROWS, D), lambda i: (i, 0)),
            pl.BlockSpec((GROUPS_PER_BLK, 256), lambda i: (i, 0)),
            pl.BlockSpec((256, D), lambda i: (0, 0)),
            pl.BlockSpec((256, 256), lambda i: (0, 0)),
            pl.BlockSpec((2, 256), lambda i: (0, 0)),
        ],
        out_specs=[
            pl.BlockSpec((GROUPS_PER_BLK, 256), lambda i: (i, 0)),
            pl.BlockSpec((2, 256), lambda i: (0, 0)),
        ],
        out_shape=[
            jax.ShapeDtypeStruct((BS, 256), jnp.float32),
            jax.ShapeDtypeStruct((2, 256), jnp.float32),
        ],
    )(g2d, t, W1a, W2, aff1)

    mean2 = sums2[0] / M
    var2 = sums2[1] / M - mean2 * mean2
    rstd2 = jax.lax.rsqrt(var2 + eps)
    scale2 = g2 * rstd2
    shift2 = beta2 - mean2 * scale2
    aff2 = jnp.stack([scale2, shift2], axis=0)

    out = pl.pallas_call(
        _finish_body,
        out_shape=jax.ShapeDtypeStruct((BS, 256), jnp.float32),
    )(omax, aff2)
    return out


def kernel(x, coords, W1, b1, g1, beta1, W2, b2, g2, beta2):
    B, D, N = x.shape
    features = jnp.transpose(x, (0, 2, 1))
    fps_idx = _fps(coords, S)
    new_xyz = jnp.take_along_axis(coords, fps_idx[..., None], axis=1)
    new_feat = jnp.take_along_axis(features, fps_idx[..., None], axis=1)

    coords_t = jnp.transpose(coords, (0, 2, 1))
    gidx = _knn_gidx(new_xyz, coords_t).reshape(-1)
    table = features.reshape(B * N, D)
    g2d = _gather_rows(table, gidx)
    c2d = new_feat.reshape(B * S, D)

    out = _mlp(g2d, c2d, W1, b1, g1, beta1, W2, b2, g2, beta2)
    nf = jnp.transpose(out.reshape(B, S, 256), (0, 2, 1))
    return (new_xyz, nf)

# --- scband reference (transcript-rebuilt; emitter-appended) ---
"""Pipeline reference for scband-sg-21208548508411 (READ-ONLY COPY).

The authoritative reference and input builder live on the scoring server;
editing this copy changes nothing except your own understanding.
"""

import jax, jax.numpy as jnp
import numpy as np

S = 256
K = 32
IN_CH = 256
OUT_CH = 256
B = 8
N = 2048
D = IN_CH // 2


def index_points(points, idx):
    # points: [B, N, C], idx: [B, ...] -> [B, ..., C]
    return jax.vmap(lambda p, i: p[i])(points, idx)


def farthest_point_sample(xyz, s):
    # xyz: [B, N, 3] -> [B, s] int32
    def single(pc):
        n = pc.shape[0]
        def body(i, carry):
            dist, farthest, idxs = carry
            idxs = idxs.at[i].set(farthest)
            centroid = pc[farthest]
            d = jnp.sum((pc - centroid) ** 2, axis=-1)
            dist = jnp.minimum(dist, d)
            farthest = jnp.argmax(dist).astype(jnp.int32)
            return (dist, farthest, idxs)
        dist0 = jnp.full((n,), 1e10, dtype=jnp.float32)
        idxs0 = jnp.zeros((s,), dtype=jnp.int32)
        _, _, idxs = jax.lax.fori_loop(0, s, body, (dist0, jnp.array(0, jnp.int32), idxs0))
        return idxs
    return jax.vmap(single)(xyz)


def knn_idx(k, xyz, new_xyz):
    # squared dists [B, s, N], smallest-k (torch.topk largest=False)
    sq = (jnp.sum(new_xyz ** 2, axis=-1, keepdims=True)
          - 2.0 * jnp.einsum('bsc,bnc->bsn', new_xyz, xyz)
          + jnp.sum(xyz ** 2, axis=-1)[:, None, :])
    _, idx = jax.lax.top_k(-sq, k)
    return idx


def conv1x1(x, W, b):
    # x: [B, C_in, s, k], W: [C_out, C_in]
    return jnp.einsum('oc,bcsk->bosk', W, x) + b[None, :, None, None]


def batchnorm2d(x, g, b, eps=1e-5):
    mean = jnp.mean(x, axis=(0, 2, 3), keepdims=True)
    var = jnp.var(x, axis=(0, 2, 3), keepdims=True)
    xn = (x - mean) / jnp.sqrt(var + eps)
    return xn * g[None, :, None, None] + b[None, :, None, None]


def setup_inputs(seed: int = 0):
    key = jax.random.key(seed)
    ks = jax.random.split(key, 8)
    x = jax.random.normal(ks[0], (B, D, N), dtype=jnp.float32)
    coords = jax.random.normal(ks[1], (B, N, 3), dtype=jnp.float32)
    W1 = jax.random.normal(ks[2], (OUT_CH, IN_CH), dtype=jnp.float32) * (1.0 / np.sqrt(IN_CH))
    b1 = jnp.zeros((OUT_CH,), jnp.float32)
    W2 = jax.random.normal(ks[3], (OUT_CH, OUT_CH), dtype=jnp.float32) * (1.0 / np.sqrt(OUT_CH))
    b2 = jnp.zeros((OUT_CH,), jnp.float32)
    g1 = jnp.ones((OUT_CH,), jnp.float32)
    beta1 = jnp.zeros((OUT_CH,), jnp.float32)
    g2 = jnp.ones((OUT_CH,), jnp.float32)
    beta2 = jnp.zeros((OUT_CH,), jnp.float32)
    return {"x": x, "coords": coords, "W1": W1, "b1": b1, "g1": g1, "beta1": beta1,
            "W2": W2, "b2": b2, "g2": g2, "beta2": beta2}


def reference(x, coords, W1, b1, g1, beta1, W2, b2, g2, beta2):
    # x: [B, D, N] -> features [B, N, D]
    features = jnp.transpose(x, (0, 2, 1))
    # sample_and_knn_group(s=S, k=32)
    fps_idx = farthest_point_sample(jax.lax.stop_gradient(coords), S)   # [B, s]
    new_xyz = index_points(coords, fps_idx)                              # [B, s, 3]
    new_feat = index_points(features, fps_idx)                           # [B, s, D]
    idx = knn_idx(K, coords, new_xyz)                                    # [B, s, k]
    grouped = index_points(features, idx)                                # [B, s, k, D]
    grouped_norm = grouped - new_feat[:, :, None, :]
    agg = jnp.concatenate(
        [grouped_norm, jnp.broadcast_to(new_feat[:, :, None, :], grouped.shape)], axis=-1)  # [B, s, k, 2D]
    nf = jnp.transpose(agg, (0, 3, 1, 2))                                # [B, 2D, s, k]
    nf = jax.nn.relu(batchnorm2d(conv1x1(nf, W1, b1), g1, beta1))
    nf = jax.nn.relu(batchnorm2d(conv1x1(nf, W2, b2), g2, beta2))
    nf = jnp.max(nf, axis=-1)                                            # [B, out, s]
    return (new_xyz, nf)

if __name__ == "__main__":
    import jax
    _d = setup_inputs()
    print(jax.jit(kernel)(*tuple(_d.values())))

</pallas_src>

<mosaic_0001>
#map = affine_map<(d0, d1) -> (0, 0)>
#map1 = affine_map<(d0, d1) -> (0)>
module attributes {stable_mosaic.version = 14 : i64} {
  func.func @k(%arg0: i32, %arg1: i32, %arg2: memref<16384x128xf32, #tpu.memory_space<hbm>>, %arg3: memref<65536xi32, #tpu.memory_space<hbm>>, %arg4: memref<65536x128xf32, #tpu.memory_space<hbm>>, %arg5: memref<2048xi32, #tpu.memory_space<vmem>>, %arg6: memref<256x128xf32, #tpu.memory_space<vmem>>, %arg7: memref<!tpu.dma_semaphore, #tpu.memory_space<semaphore_mem>>) attributes {dimension_semantics = [#tpu.dimension_semantics<core_parallel>, #tpu.dimension_semantics<subcore_parallel>], iteration_bounds = array<i64: 2, 16>, scalar_prefetch = 0 : i64, scratch_operands = 3 : i64, tpu.core_type = #tpu.core_type<sc_vector_subcore>, window_params = [{transform_indices = #map}, {transform_indices = #map1}, {transform_indices = #map}]} {
    %mul3A = arith.constant 2 : i32
    %mul3A_0 = arith.muli %arg1, %mul3A : i32
    %add3A = arith.addi %mul3A_0, %arg0 : i32
    %mul3A_1 = arith.constant 2048 : i32
    %mul3A_2 = arith.muli %add3A, %mul3A_1 : i32
    "tpu.region"() ({
      %run_scoped3A = tpu.sem_alloc : memref<!tpu.dma_semaphore, #tpu.memory_space<semaphore_mem>>
      %dma_start3A_97 = tpu.memref_slice %arg3[%mul3A_2] : memref<65536xi32, #tpu.memory_space<hbm>> -> memref<2048xi32, #tpu.memory_space<hbm>>
      %dma_start3A_98 = tpu.memref_slice %arg3[%mul3A_2] : memref<65536xi32, #tpu.memory_space<hbm>> -> memref<2048xi32, #tpu.memory_space<hbm>>
      tpu.enqueue_dma source(%dma_start3A_98 : memref<2048xi32, #tpu.memory_space<hbm>>) target(%arg5 : memref<2048xi32, #tpu.memory_space<vmem>>) target_semaphore(%run_scoped3A : memref<!tpu.dma_semaphore, #tpu.memory_space<semaphore_mem>>)
      %dma_wait3A_99 = tpu.memref_slice %arg3[%mul3A_2] : memref<65536xi32, #tpu.memory_space<hbm>> -> memref<2048xi32, #tpu.memory_space<hbm>>
      %dma_wait3A_100 = tpu.memref_slice %arg3[%mul3A_2] : memref<65536xi32, #tpu.memory_space<hbm>> -> memref<2048xi32, #tpu.memory_space<hbm>>
      tpu.wait_dma2 semaphore(%run_scoped3A : memref<!tpu.dma_semaphore, #tpu.memory_space<semaphore_mem>>) src(%dma_wait3A_100 : memref<2048xi32, #tpu.memory_space<hbm>>) dst(%arg5 : memref<2048xi32, #tpu.memory_space<vmem>>)
      tpu.yield
    }) : () -> ()
    %dma_start3A = arith.constant 0 : i32
    %dma_start3A_3 = tpu.memref_slice %arg5[%dma_start3A] : memref<2048xi32, #tpu.memory_space<vmem>> -> memref<256xi32, #tpu.memory_space<vmem>>
    %dma_start3A_4 = arith.constant 0 : i32
    %dma_start3A_5 = arith.constant 0 : i32
    %dma_start3A_6 = tpu.memref_slice %arg2[%dma_start3A_4, %dma_start3A_5] : memref<16384x128xf32, #tpu.memory_space<hbm>> -> memref<16384x128xf32, #tpu.memory_space<hbm>>
    tpu.enqueue_indirect_dma source(%dma_start3A_6 : memref<16384x128xf32, #tpu.memory_space<hbm>>) target(%arg6 : memref<256x128xf32, #tpu.memory_space<vmem>>) offsets(%dma_start3A_3 : memref<256xi32, #tpu.memory_space<vmem>>) semaphore(%arg7 : memref<!tpu.dma_semaphore, #tpu.memory_space<semaphore_mem>>)
    %dma_wait3A = arith.constant 0 : i32
    %dma_wait3A_7 = tpu.memref_slice %arg5[%dma_wait3A] : memref<2048xi32, #tpu.memory_space<vmem>> -> memref<256xi32, #tpu.memory_space<vmem>>
    %dma_wait3A_8 = arith.constant 0 : i32
    %dma_wait3A_9 = arith.constant 0 : i32
    %dma_wait3A_10 = tpu.memref_slice %arg2[%dma_wait3A_8, %dma_wait3A_9] : memref<16384x128xf32, #tpu.memory_space<hbm>> -> memref<16384x128xf32, #tpu.memory_space<hbm>>
    tpu.wait_indirect_dma semaphore(%arg7 : memref<!tpu.dma_semaphore, #tpu.memory_space<semaphore_mem>>) src(%dma_wait3A_10 : memref<16384x128xf32, #tpu.memory_space<hbm>>) dst(%arg6 : memref<256x128xf32, #tpu.memory_space<vmem>>)
    %add3A_11 = arith.constant 0 : i32
    %add3A_12 = arith.addi %mul3A_2, %add3A_11 : i32
    "tpu.region"() ({
      %run_scoped3A = tpu.sem_alloc : memref<!tpu.dma_semaphore, #tpu.memory_space<semaphore_mem>>
      %dma_start3A_97 = arith.constant 0 : i32
      %dma_start3A_98 = tpu.memref_slice %arg4[%add3A_12, %dma_start3A_97] : memref<65536x128xf32, #tpu.memory_space<hbm>> -> memref<256x128xf32, #tpu.memory_space<hbm>>
      %dma_start3A_99 = arith.constant 0 : i32
      %dma_start3A_100 = tpu.memref_slice %arg4[%add3A_12, %dma_start3A_99] : memref<65536x128xf32, #tpu.memory_space<hbm>> -> memref<256x128xf32, #tpu.memory_space<hbm>>
      tpu.enqueue_dma source(%arg6 : memref<256x128xf32, #tpu.memory_space<vmem>>) target(%dma_start3A_100 : memref<256x128xf32, #tpu.memory_space<hbm>>) target_semaphore(%run_scoped3A : memref<!tpu.dma_semaphore, #tpu.memory_space<semaphore_mem>>)
      %dma_wait3A_101 = arith.constant 0 : i32
      %dma_wait3A_102 = tpu.memref_slice %arg4[%add3A_12, %dma_wait3A_101] : memref<65536x128xf32, #tpu.memory_space<hbm>> -> memref<256x128xf32, #tpu.memory_space<hbm>>
      %dma_wait3A_103 = arith.constant 0 : i32
      %dma_wait3A_104 = tpu.memref_slice %arg4[%add3A_12, %dma_wait3A_103] : memref<65536x128xf32, #tpu.memory_space<hbm>> -> memref<256x128xf32, #tpu.memory_space<hbm>>
      tpu.wait_dma2 semaphore(%run_scoped3A : memref<!tpu.dma_semaphore, #tpu.memory_space<semaphore_mem>>) src(%arg6 : memref<256x128xf32, #tpu.memory_space<vmem>>) dst(%dma_wait3A_104 : memref<256x128xf32, #tpu.memory_space<hbm>>)
      tpu.yield
    }) : () -> ()
    %dma_start3A_13 = arith.constant 256 : i32
    %dma_start3A_14 = tpu.memref_slice %arg5[%dma_start3A_13] : memref<2048xi32, #tpu.memory_space<vmem>> -> memref<256xi32, #tpu.memory_space<vmem>>
    %dma_start3A_15 = arith.constant 0 : i32
    %dma_start3A_16 = arith.constant 0 : i32
    %dma_start3A_17 = tpu.memref_slice %arg2[%dma_start3A_15, %dma_start3A_16] : memref<16384x128xf32, #tpu.memory_space<hbm>> -> memref<16384x128xf32, #tpu.memory_space<hbm>>
    tpu.enqueue_indirect_dma source(%dma_start3A_17 : memref<16384x128xf32, #tpu.memory_space<hbm>>) target(%arg6 : memref<256x128xf32, #tpu.memory_space<vmem>>) offsets(%dma_start3A_14 : memref<256xi32, #tpu.memory_space<vmem>>) semaphore(%arg7 : memref<!tpu.dma_semaphore, #tpu.memory_space<semaphore_mem>>)
    %dma_wait3A_18 = arith.constant 256 : i32
    %dma_wait3A_19 = tpu.memref_slice %arg5[%dma_wait3A_18] : memref<2048xi32, #tpu.memory_space<vmem>> -> memref<256xi32, #tpu.memory_space<vmem>>
    %dma_wait3A_20 = arith.constant 0 : i32
    %dma_wait3A_21 = arith.constant 0 : i32
    %dma_wait3A_22 = tpu.memref_slice %arg2[%dma_wait3A_20, %dma_wait3A_21] : memref<16384x128xf32, #tpu.memory_space<hbm>> -> memref<16384x128xf32, #tpu.memory_space<hbm>>
    tpu.wait_indirect_dma semaphore(%arg7 : memref<!tpu.dma_semaphore, #tpu.memory_space<semaphore_mem>>) src(%dma_wait3A_22 : memref<16384x128xf32, #tpu.memory_space<hbm>>) dst(%arg6 : memref<256x128xf32, #tpu.memory_space<vmem>>)
    %add3A_23 = arith.constant 256 : i32
    %add3A_24 = arith.addi %mul3A_2, %add3A_23 : i32
    "tpu.region"() ({
      %run_scoped3A = tpu.sem_alloc : memref<!tpu.dma_semaphore, #tpu.memory_space<semaphore_mem>>
      %dma_start3A_97 = arith.constant 0 : i32
      %dma_start3A_98 = tpu.memref_slice %arg4[%add3A_24, %dma_start3A_97] : memref<65536x128xf32, #tpu.memory_space<hbm>> -> memref<256x128xf32, #tpu.memory_space<hbm>>
      %dma_start3A_99 = arith.constant 0 : i32
      %dma_start3A_100 = tpu.memref_slice %arg4[%add3A_24, %dma_start3A_99] : memref<65536x128xf32, #tpu.memory_space<hbm>> -> memref<256x128xf32, #tpu.memory_space<hbm>>
      tpu.enqueue_dma source(%arg6 : memref<256x128xf32, #tpu.memory_space<vmem>>) target(%dma_start3A_100 : memref<256x128xf32, #tpu.memory_space<hbm>>) target_semaphore(%run_scoped3A : memref<!tpu.dma_semaphore, #tpu.memory_space<semaphore_mem>>)
      %dma_wait3A_101 = arith.constant 0 : i32
      %dma_wait3A_102 = tpu.memref_slice %arg4[%add3A_24, %dma_wait3A_101] : memref<65536x128xf32, #tpu.memory_space<hbm>> -> memref<256x128xf32, #tpu.memory_space<hbm>>
      %dma_wait3A_103 = arith.constant 0 : i32
      %dma_wait3A_104 = tpu.memref_slice %arg4[%add3A_24, %dma_wait3A_103] : memref<65536x128xf32, #tpu.memory_space<hbm>> -> memref<256x128xf32, #tpu.memory_space<hbm>>
      tpu.wait_dma2 semaphore(%run_scoped3A : memref<!tpu.dma_semaphore, #tpu.memory_space<semaphore_mem>>) src(%arg6 : memref<256x128xf32, #tpu.memory_space<vmem>>) dst(%dma_wait3A_104 : memref<256x128xf32, #tpu.memory_space<hbm>>)
      tpu.yield
    }) : () -> ()
    %dma_start3A_25 = arith.constant 512 : i32
    %dma_start3A_26 = tpu.memref_slice %arg5[%dma_start3A_25] : memref<2048xi32, #tpu.memory_space<vmem>> -> memref<256xi32, #tpu.memory_space<vmem>>
    %dma_start3A_27 = arith.constant 0 : i32
    %dma_start3A_28 = arith.constant 0 : i32
    %dma_start3A_29 = tpu.memref_slice %arg2[%dma_start3A_27, %dma_start3A_28] : memref<16384x128xf32, #tpu.memory_space<hbm>> -> memref<16384x128xf32, #tpu.memory_space<hbm>>
    tpu.enqueue_indirect_dma source(%dma_start3A_29 : memref<16384x128xf32, #tpu.memory_space<hbm>>) target(%arg6 : memref<256x128xf32, #tpu.memory_space<vmem>>) offsets(%dma_start3A_26 : memref<256xi32, #tpu.memory_space<vmem>>) semaphore(%arg7 : memref<!tpu.dma_semaphore, #tpu.memory_space<semaphore_mem>>)
    %dma_wait3A_30 = arith.constant 512 : i32
    %dma_wait3A_31 = tpu.memref_slice %arg5[%dma_wait3A_30] : memref<2048xi32, #tpu.memory_space<vmem>> -> memref<256xi32, #tpu.memory_space<vmem>>
    %dma_wait3A_32 = arith.constant 0 : i32
    %dma_wait3A_33 = arith.constant 0 : i32
    %dma_wait3A_34 = tpu.memref_slice %arg2[%dma_wait3A_32, %dma_wait3A_33] : memref<16384x128xf32, #tpu.memory_space<hbm>> -> memref<16384x128xf32, #tpu.memory_space<hbm>>
    tpu.wait_indirect_dma semaphore(%arg7 : memref<!tpu.dma_semaphore, #tpu.memory_space<semaphore_mem>>) src(%dma_wait3A_34 : memref<16384x128xf32, #tpu.memory_space<hbm>>) dst(%arg6 : memref<256x128xf32, #tpu.memory_space<vmem>>)
    %add3A_35 = arith.constant 512 : i32
    %add3A_36 = arith.addi %mul3A_2, %add3A_35 : i32
    "tpu.region"() ({
      %run_scoped3A = tpu.sem_alloc : memref<!tpu.dma_semaphore, #tpu.memory_space<semaphore_mem>>
      %dma_start3A_97 = arith.constant 0 : i32
      %dma_start3A_98 = tpu.memref_slice %arg4[%add3A_36, %dma_start3A_97] : memref<65536x128xf32, #tpu.memory_space<hbm>> -> memref<256x128xf32, #tpu.memory_space<hbm>>
      %dma_start3A_99 = arith.constant 0 : i32
      %dma_start3A_100 = tpu.memref_slice %arg4[%add3A_36, %dma_start3A_99] : memref<65536x128xf32, #tpu.memory_space<hbm>> -> memref<256x128xf32, #tpu.memory_space<hbm>>
      tpu.enqueue_dma source(%arg6 : memref<256x128xf32, #tpu.memory_space<vmem>>) target(%dma_start3A_100 : memref<256x128xf32, #tpu.memory_space<hbm>>) target_semaphore(%run_scoped3A : memref<!tpu.dma_semaphore, #tpu.memory_space<semaphore_mem>>)
      %dma_wait3A_101 = arith.constant 0 : i32
      %dma_wait3A_102 = tpu.memref_slice %arg4[%add3A_36, %dma_wait3A_101] : memref<65536x128xf32, #tpu.memory_space<hbm>> -> memref<256x128xf32, #tpu.memory_space<hbm>>
      %dma_wait3A_103 = arith.constant 0 : i32
      %dma_wait3A_104 = tpu.memref_slice %arg4[%add3A_36, %dma_wait3A_103] : memref<65536x128xf32, #tpu.memory_space<hbm>> -> memref<256x128xf32, #tpu.memory_space<hbm>>
      tpu.wait_dma2 semaphore(%run_scoped3A : memref<!tpu.dma_semaphore, #tpu.memory_space<semaphore_mem>>) src(%arg6 : memref<256x128xf32, #tpu.memory_space<vmem>>) dst(%dma_wait3A_104 : memref<256x128xf32, #tpu.memory_space<hbm>>)
      tpu.yield
    }) : () -> ()
    %dma_start3A_37 = arith.constant 768 : i32
    %dma_start3A_38 = tpu.memref_slice %arg5[%dma_start3A_37] : memref<2048xi32, #tpu.memory_space<vmem>> -> memref<256xi32, #tpu.memory_space<vmem>>
    %dma_start3A_39 = arith.constant 0 : i32
    %dma_start3A_40 = arith.constant 0 : i32
    %dma_start3A_41 = tpu.memref_slice %arg2[%dma_start3A_39, %dma_start3A_40] : memref<16384x128xf32, #tpu.memory_space<hbm>> -> memref<16384x128xf32, #tpu.memory_space<hbm>>
    tpu.enqueue_indirect_dma source(%dma_start3A_41 : memref<16384x128xf32, #tpu.memory_space<hbm>>) target(%arg6 : memref<256x128xf32, #tpu.memory_space<vmem>>) offsets(%dma_start3A_38 : memref<256xi32, #tpu.memory_space<vmem>>) semaphore(%arg7 : memref<!tpu.dma_semaphore, #tpu.memory_space<semaphore_mem>>)
    %dma_wait3A_42 = arith.constant 768 : i32
    %dma_wait3A_43 = tpu.memref_slice %arg5[%dma_wait3A_42] : memref<2048xi32, #tpu.memory_space<vmem>> -> memref<256xi32, #tpu.memory_space<vmem>>
    %dma_wait3A_44 = arith.constant 0 : i32
    %dma_wait3A_45 = arith.constant 0 : i32
    %dma_wait3A_46 = tpu.memref_slice %arg2[%dma_wait3A_44, %dma_wait3A_45] : memref<16384x128xf32, #tpu.memory_space<hbm>> -> memref<16384x128xf32, #tpu.memory_space<hbm>>
    tpu.wait_indirect_dma semaphore(%arg7 : memref<!tpu.dma_semaphore, #tpu.memory_space<semaphore_mem>>) src(%dma_wait3A_46 : memref<16384x128xf32, #tpu.memory_space<hbm>>) dst(%arg6 : memref<256x128xf32, #tpu.memory_space<vmem>>)
    %add3A_47 = arith.constant 768 : i32
    %add3A_48 = arith.addi %mul3A_2, %add3A_47 : i32
    "tpu.region"() ({
      %run_scoped3A = tpu.sem_alloc : memref<!tpu.dma_semaphore, #tpu.memory_space<semaphore_mem>>
      %dma_start3A_97 = arith.constant 0 : i32
      %dma_start3A_98 = tpu.memref_slice %arg4[%add3A_48, %dma_start3A_97] : memref<65536x128xf32, #tpu.memory_space<hbm>> -> memref<256x128xf32, #tpu.memory_space<hbm>>
      %dma_start3A_99 = arith.constant 0 : i32
      %dma_start3A_100 = tpu.memref_slice %arg4[%add3A_48, %dma_start3A_99] : memref<65536x128xf32, #tpu.memory_space<hbm>> -> memref<256x128xf32, #tpu.memory_space<hbm>>
      tpu.enqueue_dma source(%arg6 : memref<256x128xf32, #tpu.memory_space<vmem>>) target(%dma_start3A_100 : memref<256x128xf32, #tpu.memory_space<hbm>>) target_semaphore(%run_scoped3A : memref<!tpu.dma_semaphore, #tpu.memory_space<semaphore_mem>>)
      %dma_wait3A_101 = arith.constant 0 : i32
      %dma_wait3A_102 = tpu.memref_slice %arg4[%add3A_48, %dma_wait3A_101] : memref<65536x128xf32, #tpu.memory_space<hbm>> -> memref<256x128xf32, #tpu.memory_space<hbm>>
      %dma_wait3A_103 = arith.constant 0 : i32
      %dma_wait3A_104 = tpu.memref_slice %arg4[%add3A_48, %dma_wait3A_103] : memref<65536x128xf32, #tpu.memory_space<hbm>> -> memref<256x128xf32, #tpu.memory_space<hbm>>
      tpu.wait_dma2 semaphore(%run_scoped3A : memref<!tpu.dma_semaphore, #tpu.memory_space<semaphore_mem>>) src(%arg6 : memref<256x128xf32, #tpu.memory_space<vmem>>) dst(%dma_wait3A_104 : memref<256x128xf32, #tpu.memory_space<hbm>>)
      tpu.yield
    }) : () -> ()
    %dma_start3A_49 = arith.constant 1024 : i32
    %dma_start3A_50 = tpu.memref_slice %arg5[%dma_start3A_49] : memref<2048xi32, #tpu.memory_space<vmem>> -> memref<256xi32, #tpu.memory_space<vmem>>
    %dma_start3A_51 = arith.constant 0 : i32
    %dma_start3A_52 = arith.constant 0 : i32
    %dma_start3A_53 = tpu.memref_slice %arg2[%dma_start3A_51, %dma_start3A_52] : memref<16384x128xf32, #tpu.memory_space<hbm>> -> memref<16384x128xf32, #tpu.memory_space<hbm>>
    tpu.enqueue_indirect_dma source(%dma_start3A_53 : memref<16384x128xf32, #tpu.memory_space<hbm>>) target(%arg6 : memref<256x128xf32, #tpu.memory_space<vmem>>) offsets(%dma_start3A_50 : memref<256xi32, #tpu.memory_space<vmem>>) semaphore(%arg7 : memref<!tpu.dma_semaphore, #tpu.memory_space<semaphore_mem>>)
    %dma_wait3A_54 = arith.constant 1024 : i32
    %dma_wait3A_55 = tpu.memref_slice %arg5[%dma_wait3A_54] : memref<2048xi32, #tpu.memory_space<vmem>> -> memref<256xi32, #tpu.memory_space<vmem>>
    %dma_wait3A_56 = arith.constant 0 : i32
    %dma_wait3A_57 = arith.constant 0 : i32
    %dma_wait3A_58 = tpu.memref_slice %arg2[%dma_wait3A_56, %dma_wait3A_57] : memref<16384x128xf32, #tpu.memory_space<hbm>> -> memref<16384x128xf32, #tpu.memory_space<hbm>>
    tpu.wait_indirect_dma semaphore(%arg7 : memref<!tpu.dma_semaphore, #tpu.memory_space<semaphore_mem>>) src(%dma_wait3A_58 : memref<16384x128xf32, #tpu.memory_space<hbm>>) dst(%arg6 : memref<256x128xf32, #tpu.memory_space<vmem>>)
    %add3A_59 = arith.constant 1024 : i32
    %add3A_60 = arith.addi %mul3A_2, %add3A_59 : i32
    "tpu.region"() ({
      %run_scoped3A = tpu.sem_alloc : memref<!tpu.dma_semaphore, #tpu.memory_space<semaphore_mem>>
      %dma_start3A_97 = arith.constant 0 : i32
      %dma_start3A_98 = tpu.memref_slice %arg4[%add3A_60, %dma_start3A_97] : memref<65536x128xf32, #tpu.memory_space<hbm>> -> memref<256x128xf32, #tpu.memory_space<hbm>>
      %dma_start3A_99 = arith.constant 0 : i32
      %dma_start3A_100 = tpu.memref_slice %arg4[%add3A_60, %dma_start3A_99] : memref<65536x128xf32, #tpu.memory_space<hbm>> -> memref<256x128xf32, #tpu.memory_space<hbm>>
      tpu.enqueue_dma source(%arg6 : memref<256x128xf32, #tpu.memory_space<vmem>>) target(%dma_start3A_100 : memref<256x128xf32, #tpu.memory_space<hbm>>) target_semaphore(%run_scoped3A : memref<!tpu.dma_semaphore, #tpu.memory_space<semaphore_mem>>)
      %dma_wait3A_101 = arith.constant 0 : i32
      %dma_wait3A_102 = tpu.memref_slice %arg4[%add3A_60, %dma_wait3A_101] : memref<65536x128xf32, #tpu.memory_space<hbm>> -> memref<256x128xf32, #tpu.memory_space<hbm>>
      %dma_wait3A_103 = arith.constant 0 : i32
      %dma_wait3A_104 = tpu.memref_slice %arg4[%add3A_60, %dma_wait3A_103] : memref<65536x128xf32, #tpu.memory_space<hbm>> -> memref<256x128xf32, #tpu.memory_space<hbm>>
      tpu.wait_dma2 semaphore(%run_scoped3A : memref<!tpu.dma_semaphore, #tpu.memory_space<semaphore_mem>>) src(%arg6 : memref<256x128xf32, #tpu.memory_space<vmem>>) dst(%dma_wait3A_104 : memref<256x128xf32, #tpu.memory_space<hbm>>)
      tpu.yield
    }) : () -> ()
    %dma_start3A_61 = arith.constant 1280 : i32
    %dma_start3A_62 = tpu.memref_slice %arg5[%dma_start3A_61] : memref<2048xi32, #tpu.memory_space<vmem>> -> memref<256xi32, #tpu.memory_space<vmem>>
    %dma_start3A_63 = arith.constant 0 : i32
    %dma_start3A_64 = arith.constant 0 : i32
    %dma_start3A_65 = tpu.memref_slice %arg2[%dma_start3A_63, %dma_start3A_64] : memref<16384x128xf32, #tpu.memory_space<hbm>> -> memref<16384x128xf32, #tpu.memory_space<hbm>>
    tpu.enqueue_indirect_dma source(%dma_start3A_65 : memref<16384x128xf32, #tpu.memory_space<hbm>>) target(%arg6 : memref<256x128xf32, #tpu.memory_space<vmem>>) offsets(%dma_start3A_62 : memref<256xi32, #tpu.memory_space<vmem>>) semaphore(%arg7 : memref<!tpu.dma_semaphore, #tpu.memory_space<semaphore_mem>>)
    %dma_wait3A_66 = arith.constant 1280 : i32
    %dma_wait3A_67 = tpu.memref_slice %arg5[%dma_wait3A_66] : memref<2048xi32, #tpu.memory_space<vmem>> -> memref<256xi32, #tpu.memory_space<vmem>>
    %dma_wait3A_68 = arith.constant 0 : i32
    %dma_wait3A_69 = arith.constant 0 : i32
    %dma_wait3A_70 = tpu.memref_slice %arg2[%dma_wait3A_68, %dma_wait3A_69] : memref<16384x128xf32, #tpu.memory_space<hbm>> -> memref<16384x128xf32, #tpu.memory_space<hbm>>
    tpu.wait_indirect_dma semaphore(%arg7 : memref<!tpu.dma_semaphore, #tpu.memory_space<semaphore_mem>>) src(%dma_wait3A_70 : memref<16384x128xf32, #tpu.memory_space<hbm>>) dst(%arg6 : memref<256x128xf32, #tpu.memory_space<vmem>>)
    %add3A_71 = arith.constant 1280 : i32
    %add3A_72 = arith.addi %mul3A_2, %add3A_71 : i32
    "tpu.region"() ({
      %run_scoped3A = tpu.sem_alloc : memref<!tpu.dma_semaphore, #tpu.memory_space<semaphore_mem>>
      %dma_start3A_97 = arith.constant 0 : i32
      %dma_start3A_98 = tpu.memref_slice %arg4[%add3A_72, %dma_start3A_97] : memref<65536x128xf32, #tpu.memory_space<hbm>> -> memref<256x128xf32, #tpu.memory_space<hbm>>
      %dma_start3A_99 = arith.constant 0 : i32
      %dma_start3A_100 = tpu.memref_slice %arg4[%add3A_72, %dma_start3A_99] : memref<65536x128xf32, #tpu.memory_space<hbm>> -> memref<256x128xf32, #tpu.memory_space<hbm>>
      tpu.enqueue_dma source(%arg6 : memref<256x128xf32, #tpu.memory_space<vmem>>) target(%dma_start3A_100 : memref<256x128xf32, #tpu.memory_space<hbm>>) target_semaphore(%run_scoped3A : memref<!tpu.dma_semaphore, #tpu.memory_space<semaphore_mem>>)
      %dma_wait3A_101 = arith.constant 0 : i32
      %dma_wait3A_102 = tpu.memref_slice %arg4[%add3A_72, %dma_wait3A_101] : memref<65536x128xf32, #tpu.memory_space<hbm>> -> memref<256x128xf32, #tpu.memory_space<hbm>>
      %dma_wait3A_103 = arith.constant 0 : i32
      %dma_wait3A_104 = tpu.memref_slice %arg4[%add3A_72, %dma_wait3A_103] : memref<65536x128xf32, #tpu.memory_space<hbm>> -> memref<256x128xf32, #tpu.memory_space<hbm>>
      tpu.wait_dma2 semaphore(%run_scoped3A : memref<!tpu.dma_semaphore, #tpu.memory_space<semaphore_mem>>) src(%arg6 : memref<256x128xf32, #tpu.memory_space<vmem>>) dst(%dma_wait3A_104 : memref<256x128xf32, #tpu.memory_space<hbm>>)
      tpu.yield
    }) : () -> ()
    %dma_start3A_73 = arith.constant 1536 : i32
    %dma_start3A_74 = tpu.memref_slice %arg5[%dma_start3A_73] : memref<2048xi32, #tpu.memory_space<vmem>> -> memref<256xi32, #tpu.memory_space<vmem>>
    %dma_start3A_75 = arith.constant 0 : i32
    %dma_start3A_76 = arith.constant 0 : i32
    %dma_start3A_77 = tpu.memref_slice %arg2[%dma_start3A_75, %dma_start3A_76] : memref<16384x128xf32, #tpu.memory_space<hbm>> -> memref<16384x128xf32, #tpu.memory_space<hbm>>
    tpu.enqueue_indirect_dma source(%dma_start3A_77 : memref<16384x128xf32, #tpu.memory_space<hbm>>) target(%arg6 : memref<256x128xf32, #tpu.memory_space<vmem>>) offsets(%dma_start3A_74 : memref<256xi32, #tpu.memory_space<vmem>>) semaphore(%arg7 : memref<!tpu.dma_semaphore, #tpu.memory_space<semaphore_mem>>)
    %dma_wait3A_78 = arith.constant 1536 : i32
    %dma_wait3A_79 = tpu.memref_slice %arg5[%dma_wait3A_78] : memref<2048xi32, #tpu.memory_space<vmem>> -> memref<256xi32, #tpu.memory_space<vmem>>
    %dma_wait3A_80 = arith.constant 0 : i32
    %dma_wait3A_81 = arith.constant 0 : i32
    %dma_wait3A_82 = tpu.memref_slice %arg2[%dma_wait3A_80, %dma_wait3A_81] : memref<16384x128xf32, #tpu.memory_space<hbm>> -> memref<16384x128xf32, #tpu.memory_space<hbm>>
    tpu.wait_indirect_dma semaphore(%arg7 : memref<!tpu.dma_semaphore, #tpu.memory_space<semaphore_mem>>) src(%dma_wait3A_82 : memref<16384x128xf32, #tpu.memory_space<hbm>>) dst(%arg6 : memref<256x128xf32, #tpu.memory_space<vmem>>)
    %add3A_83 = arith.constant 1536 : i32
    %add3A_84 = arith.addi %mul3A_2, %add3A_83 : i32
    "tpu.region"() ({
      %run_scoped3A = tpu.sem_alloc : memref<!tpu.dma_semaphore, #tpu.memory_space<semaphore_mem>>
      %dma_start3A_97 = arith.constant 0 : i32
      %dma_start3A_98 = tpu.memref_slice %arg4[%add3A_84, %dma_start3A_97] : memref<65536x128xf32, #tpu.memory_space<hbm>> -> memref<256x128xf32, #tpu.memory_space<hbm>>
      %dma_start3A_99 = arith.constant 0 : i32
      %dma_start3A_100 = tpu.memref_slice %arg4[%add3A_84, %dma_start3A_99] : memref<65536x128xf32, #tpu.memory_space<hbm>> -> memref<256x128xf32, #tpu.memory_space<hbm>>
      tpu.enqueue_dma source(%arg6 : memref<256x128xf32, #tpu.memory_space<vmem>>) target(%dma_start3A_100 : memref<256x128xf32, #tpu.memory_space<hbm>>) target_semaphore(%run_scoped3A : memref<!tpu.dma_semaphore, #tpu.memory_space<semaphore_mem>>)
      %dma_wait3A_101 = arith.constant 0 : i32
      %dma_wait3A_102 = tpu.memref_slice %arg4[%add3A_84, %dma_wait3A_101] : memref<65536x128xf32, #tpu.memory_space<hbm>> -> memref<256x128xf32, #tpu.memory_space<hbm>>
      %dma_wait3A_103 = arith.constant 0 : i32
      %dma_wait3A_104 = tpu.memref_slice %arg4[%add3A_84, %dma_wait3A_103] : memref<65536x128xf32, #tpu.memory_space<hbm>> -> memref<256x128xf32, #tpu.memory_space<hbm>>
      tpu.wait_dma2 semaphore(%run_scoped3A : memref<!tpu.dma_semaphore, #tpu.memory_space<semaphore_mem>>) src(%arg6 : memref<256x128xf32, #tpu.memory_space<vmem>>) dst(%dma_wait3A_104 : memref<256x128xf32, #tpu.memory_space<hbm>>)
      tpu.yield
    }) : () -> ()
    %dma_start3A_85 = arith.constant 1792 : i32
    %dma_start3A_86 = tpu.memref_slice %arg5[%dma_start3A_85] : memref<2048xi32, #tpu.memory_space<vmem>> -> memref<256xi32, #tpu.memory_space<vmem>>
    %dma_start3A_87 = arith.constant 0 : i32
    %dma_start3A_88 = arith.constant 0 : i32
    %dma_start3A_89 = tpu.memref_slice %arg2[%dma_start3A_87, %dma_start3A_88] : memref<16384x128xf32, #tpu.memory_space<hbm>> -> memref<16384x128xf32, #tpu.memory_space<hbm>>
    tpu.enqueue_indirect_dma source(%dma_start3A_89 : memref<16384x128xf32, #tpu.memory_space<hbm>>) target(%arg6 : memref<256x128xf32, #tpu.memory_space<vmem>>) offsets(%dma_start3A_86 : memref<256xi32, #tpu.memory_space<vmem>>) semaphore(%arg7 : memref<!tpu.dma_semaphore, #tpu.memory_space<semaphore_mem>>)
    %dma_wait3A_90 = arith.constant 1792 : i32
    %dma_wait3A_91 = tpu.memref_slice %arg5[%dma_wait3A_90] : memref<2048xi32, #tpu.memory_space<vmem>> -> memref<256xi32, #tpu.memory_space<vmem>>
    %dma_wait3A_92 = arith.constant 0 : i32
    %dma_wait3A_93 = arith.constant 0 : i32
    %dma_wait3A_94 = tpu.memref_slice %arg2[%dma_wait3A_92, %dma_wait3A_93] : memref<16384x128xf32, #tpu.memory_space<hbm>> -> memref<16384x128xf32, #tpu.memory_space<hbm>>
    tpu.wait_indirect_dma semaphore(%arg7 : memref<!tpu.dma_semaphore, #tpu.memory_space<semaphore_mem>>) src(%dma_wait3A_94 : memref<16384x128xf32, #tpu.memory_space<hbm>>) dst(%arg6 : memref<256x128xf32, #tpu.memory_space<vmem>>)
    %add3A_95 = arith.constant 1792 : i32
    %add3A_96 = arith.addi %mul3A_2, %add3A_95 : i32
    "tpu.region"() ({
      %run_scoped3A = tpu.sem_alloc : memref<!tpu.dma_semaphore, #tpu.memory_space<semaphore_mem>>
      %dma_start3A_97 = arith.constant 0 : i32
      %dma_start3A_98 = tpu.memref_slice %arg4[%add3A_96, %dma_start3A_97] : memref<65536x128xf32, #tpu.memory_space<hbm>> -> memref<256x128xf32, #tpu.memory_space<hbm>>
      %dma_start3A_99 = arith.constant 0 : i32
      %dma_start3A_100 = tpu.memref_slice %arg4[%add3A_96, %dma_start3A_99] : memref<65536x128xf32, #tpu.memory_space<hbm>> -> memref<256x128xf32, #tpu.memory_space<hbm>>
      tpu.enqueue_dma source(%arg6 : memref<256x128xf32, #tpu.memory_space<vmem>>) target(%dma_start3A_100 : memref<256x128xf32, #tpu.memory_space<hbm>>) target_semaphore(%run_scoped3A : memref<!tpu.dma_semaphore, #tpu.memory_space<semaphore_mem>>)
      %dma_wait3A_101 = arith.constant 0 : i32
      %dma_wait3A_102 = tpu.memref_slice %arg4[%add3A_96, %dma_wait3A_101] : memref<65536x128xf32, #tpu.memory_space<hbm>> -> memref<256x128xf32, #tpu.memory_space<hbm>>
      %dma_wait3A_103 = arith.constant 0 : i32
      %dma_wait3A_104 = tpu.memref_slice %arg4[%add3A_96, %dma_wait3A_103] : memref<65536x128xf32, #tpu.memory_space<hbm>> -> memref<256x128xf32, #tpu.memory_space<hbm>>
      tpu.wait_dma2 semaphore(%run_scoped3A : memref<!tpu.dma_semaphore, #tpu.memory_space<semaphore_mem>>) src(%arg6 : memref<256x128xf32, #tpu.memory_space<vmem>>) dst(%dma_wait3A_104 : memref<256x128xf32, #tpu.memory_space<hbm>>)
      tpu.yield
    }) : () -> ()
    return
  }
}

module attributes {stable_mosaic.version = 14 : i64} {
  func.func @_fps_body(%arg0: memref<3x8x2048xf32, #tpu.memory_space<vmem>>, %arg1: memref<256x1x8xi32, #tpu.memory_space<vmem>>) attributes {dimension_semantics = [], scalar_prefetch = 0 : i64, scratch_operands = 0 : i64, tpu.core_type = #tpu.core_type<tc>} {
    %get3A = arith.constant 0 : index
    %get3A_0 = arith.constant 0 : index
    %get3A_1 = arith.constant 0 : index
    %get3A_2 = vector.load %arg0[%get3A, %get3A_0, %get3A_1] : memref<3x8x2048xf32, #tpu.memory_space<vmem>>, vector<1x8x2048xf32>
    %get3A_3 = vector.shape_cast %get3A_2 : vector<1x8x2048xf32> to vector<8x2048xf32>
    %get3A_4 = arith.constant 1 : index
    %get3A_5 = arith.constant 0 : index
    %get3A_6 = arith.constant 0 : index
    %get3A_7 = vector.load %arg0[%get3A_4, %get3A_5, %get3A_6] : memref<3x8x2048xf32, #tpu.memory_space<vmem>>, vector<1x8x2048xf32>
    %get3A_8 = vector.shape_cast %get3A_7 : vector<1x8x2048xf32> to vector<8x2048xf32>
    %get3A_9 = arith.constant 2 : index
    %get3A_10 = arith.constant 0 : index
    %get3A_11 = arith.constant 0 : index
    %get3A_12 = vector.load %arg0[%get3A_9, %get3A_10, %get3A_11] : memref<3x8x2048xf32, #tpu.memory_space<vmem>>, vector<1x8x2048xf32>
    %get3A_13 = vector.shape_cast %get3A_12 : vector<1x8x2048xf32> to vector<8x2048xf32>
    %iota3A = tpu.iota {dimensions = array<i32: 1>} : vector<8x2048xi32>
    %iota3A_14 = tpu.iota {dimensions = array<i32: 0>} : vector<8x8xi32>
    %iota3A_15 = tpu.iota {dimensions = array<i32: 1>} : vector<8x8xi32>
    %eq3A = arith.cmpi eq, %iota3A_14, %iota3A_15 : vector<8x8xi32>
    %broadcast_in_dim3A = arith.constant 1.000000e+10 : f32
    %broadcast_in_dim3A_16 = vector.broadcast %broadcast_in_dim3A : f32 to vector<8x2048xf32>
    %broadcast_in_dim3A_17 = arith.constant 0 : i32
    %broadcast_in_dim3A_18 = vector.broadcast %broadcast_in_dim3A_17 : i32 to vector<8x1xi32>
    %scan3A = arith.constant 0 : i32
    %scan3A_19 = arith.constant 256 : i32
    %scan3A_20 = arith.addi %scan3A, %scan3A_19 : i32
    %scan3A_21 = arith.constant 1 : i32
    %scan3A_22:2 = scf.for %scan3A_24 = %scan3A to %scan3A_20 step %scan3A_21 iter_args(%scan3A_25 = %broadcast_in_dim3A_16, %scan3A_26 = %broadcast_in_dim3A_18) -> (vector<8x2048xf32>, vector<8x1xi32>)  : i32 {
      %broadcast_in_dim3A_27 = vector.shape_cast %scan3A_26 : vector<8x1xi32> to vector<8x1xi32>
      %broadcast_in_dim3A_28 = vector.broadcast %broadcast_in_dim3A_27 : vector<8x1xi32> to vector<8x8xi32>
      %jit3A = arith.constant 0 : i32
      %broadcast_in_dim3A_29 = vector.broadcast %jit3A : i32 to vector<8x8xi32>
      %select_n3A = arith.select %eq3A, %broadcast_in_dim3A_28, %broadcast_in_dim3A_29 : vector<8x8xi1>, vector<8x8xi32>
      %reduce_max3A = arith.constant dense<-2147483648> : vector<8xi32>
      %reduce_max3A_30 = vector.multi_reduction <maxsi>, %select_n3A, %reduce_max3A [0] : vector<8x8xi32> to vector<8xi32>
      %broadcast_in_dim3A_31 = vector.shape_cast %reduce_max3A_30 : vector<8xi32> to vector<1x8xi32>
      %reshape3A = vector.shape_cast %broadcast_in_dim3A_31 : vector<1x8xi32> to vector<1x1x8xi32>
      %swap3A = arith.index_cast %scan3A_24 : i32 to index
      %swap3A_32 = arith.constant 0 : index
      %swap3A_33 = arith.constant 0 : index
      %swap3A_34 = vector.load %arg1[%swap3A, %swap3A_32, %swap3A_33] : memref<256x1x8xi32, #tpu.memory_space<vmem>>, vector<1x1x8xi32>
      tpu.vector_store %arg1[%swap3A, %swap3A_32, %swap3A_33], %reshape3A {strides = array<i32>} : memref<256x1x8xi32, #tpu.memory_space<vmem>>, vector<1x1x8xi32>,
      %eq3A_35 = vector.broadcast %scan3A_26 : vector<8x1xi32> to vector<8x2048xi32>
      %eq3A_36 = arith.cmpi eq, %iota3A, %eq3A_35 : vector<8x2048xi32>
      %jit3A_37 = arith.constant 0xFF800000 : f32
      %broadcast_in_dim3A_38 = vector.broadcast %jit3A_37 : f32 to vector<8x2048xf32>
      %select_n3A_39 = arith.select %eq3A_36, %get3A_3, %broadcast_in_dim3A_38 : vector<8x2048xi1>, vector<8x2048xf32>
      %reduce_max3A_40 = arith.constant dense<0xFF800000> : vector<8xf32>
      %reduce_max3A_41 = vector.multi_reduction <maximumf>, %select_n3A_39, %reduce_max3A_40 [1] : vector<8x2048xf32> to vector<8xf32>
      %broadcast_in_dim3A_42 = vector.shape_cast %reduce_max3A_41 : vector<8xf32> to vector<8x1xf32>
      %jit3A_43 = arith.constant 0xFF800000 : f32
      %broadcast_in_dim3A_44 = vector.broadcast %jit3A_43 : f32 to vector<8x2048xf32>
      %select_n3A_45 = arith.select %eq3A_36, %get3A_8, %broadcast_in_dim3A_44 : vector<8x2048xi1>, vector<8x2048xf32>
      %reduce_max3A_46 = arith.constant dense<0xFF800000> : vector<8xf32>
      %reduce_max3A_47 = vector.multi_reduction <maximumf>, %select_n3A_45, %reduce_max3A_46 [1] : vector<8x2048xf32> to vector<8xf32>
      %broadcast_in_dim3A_48 = vector.shape_cast %reduce_max3A_47 : vector<8xf32> to vector<8x1xf32>
      %jit3A_49 = arith.constant 0xFF800000 : f32
      %broadcast_in_dim3A_50 = vector.broadcast %jit3A_49 : f32 to vector<8x2048xf32>
      %select_n3A_51 = arith.select %eq3A_36, %get3A_13, %broadcast_in_dim3A_50 : vector<8x2048xi1>, vector<8x2048xf32>
      %reduce_max3A_52 = arith.constant dense<0xFF800000> : vector<8xf32>
      %reduce_max3A_53 = vector.multi_reduction <maximumf>, %select_n3A_51, %reduce_max3A_52 [1] : vector<8x2048xf32> to vector<8xf32>
      %broadcast_in_dim3A_54 = vector.shape_cast %reduce_max3A_53 : vector<8xf32> to vector<8x1xf32>
      %sub3A = vector.broadcast %broadcast_in_dim3A_42 : vector<8x1xf32> to vector<8x2048xf32>
      %sub3A_55 = arith.subf %get3A_3, %sub3A : vector<8x2048xf32>
      %sub3A_56 = vector.broadcast %broadcast_in_dim3A_48 : vector<8x1xf32> to vector<8x2048xf32>
      %sub3A_57 = arith.subf %get3A_8, %sub3A_56 : vector<8x2048xf32>
      %sub3A_58 = vector.broadcast %broadcast_in_dim3A_54 : vector<8x1xf32> to vector<8x2048xf32>
      %sub3A_59 = arith.subf %get3A_13, %sub3A_58 : vector<8x2048xf32>
      %mul3A = arith.mulf %sub3A_55, %sub3A_55 : vector<8x2048xf32>
      %mul3A_60 = arith.mulf %sub3A_57, %sub3A_57 : vector<8x2048xf32>
      %add3A = arith.addf %mul3A, %mul3A_60 : vector<8x2048xf32>
      %mul3A_61 = arith.mulf %sub3A_59, %sub3A_59 : vector<8x2048xf32>
      %add3A_62 = arith.addf %add3A, %mul3A_61 : vector<8x2048xf32>
      %min3A = arith.minimumf %scan3A_25, %add3A_62 : vector<8x2048xf32>
      %reduce_max3A_63 = arith.constant dense<0xFF800000> : vector<8xf32>
      %reduce_max3A_64 = vector.multi_reduction <maximumf>, %min3A, %reduce_max3A_63 [1] : vector<8x2048xf32> to vector<8xf32>
      %broadcast_in_dim3A_65 = vector.shape_cast %reduce_max3A_64 : vector<8xf32> to vector<8x1xf32>
      %eq3A_66 = vector.broadcast %broadcast_in_dim3A_65 : vector<8x1xf32> to vector<8x2048xf32>
      %eq3A_67 = arith.cmpf oeq, %min3A, %eq3A_66 : vector<8x2048xf32>
      %jit3A_68 = arith.constant 2048 : i32
      %broadcast_in_dim3A_69 = vector.broadcast %jit3A_68 : i32 to vector<8x2048xi32>
      %select_n3A_70 = arith.select %eq3A_67, %iota3A, %broadcast_in_dim3A_69 : vector<8x2048xi1>, vector<8x2048xi32>
      %reduce_min3A = arith.constant dense<2147483647> : vector<8xi32>
      %reduce_min3A_71 = vector.multi_reduction <minsi>, %select_n3A_70, %reduce_min3A [1] : vector<8x2048xi32> to vector<8xi32>
      %broadcast_in_dim3A_72 = vector.shape_cast %reduce_min3A_71 : vector<8xi32> to vector<8x1xi32>
      scf.yield %min3A, %broadcast_in_dim3A_72 : vector<8x2048xf32>, vector<8x1xi32>
    }
    %scan3A_23 = arith.constant 256 : i32
    return
  }
}

module attributes {stable_mosaic.version = 14 : i64} {
  func.func @_knn_body(%arg0: i32, %arg1: memref<1x256x3xf32, #tpu.memory_space<vmem>>, %arg2: memref<1x3x2048xf32, #tpu.memory_space<vmem>>, %arg3: memref<1x256x32xi32, #tpu.memory_space<vmem>>, %arg4: memref<256x32xi32, #tpu.memory_space<vmem>>) attributes {dimension_semantics = [#tpu.dimension_semantics<arbitrary>], iteration_bounds = array<i64: 8>, scalar_prefetch = 0 : i64, scratch_operands = 1 : i64, tpu.core_type = #tpu.core_type<tc>, window_params = [{transform_indices = @transform_0, window_bounds = array<i64: 1, 256, 3>}, {transform_indices = @transform_1, window_bounds = array<i64: 1, 3, 2048>}, {transform_indices = @transform_2, window_bounds = array<i64: 1, 256, 32>}]} {
    %get3A = arith.constant 0 : index
    %get3A_0 = arith.constant 0 : index
    %get3A_1 = arith.constant 0 : index
    %get3A_2 = vector.load %arg1[%get3A, %get3A_0, %get3A_1] : memref<1x256x3xf32, #tpu.memory_space<vmem>>, vector<1x256x1xf32>
    %get3A_3 = vector.shape_cast %get3A_2 : vector<1x256x1xf32> to vector<256x1xf32>
    %get3A_4 = arith.constant 0 : index
    %get3A_5 = arith.constant 0 : index
    %get3A_6 = arith.constant 1 : index
    %get3A_7 = vector.load %arg1[%get3A_4, %get3A_5, %get3A_6] : memref<1x256x3xf32, #tpu.memory_space<vmem>>, vector<1x256x1xf32>
    %get3A_8 = vector.shape_cast %get3A_7 : vector<1x256x1xf32> to vector<256x1xf32>
    %get3A_9 = arith.constant 0 : index
    %get3A_10 = arith.constant 0 : index
    %get3A_11 = arith.constant 2 : index
    %get3A_12 = vector.load %arg1[%get3A_9, %get3A_10, %get3A_11] : memref<1x256x3xf32, #tpu.memory_space<vmem>>, vector<1x256x1xf32>
    %get3A_13 = vector.shape_cast %get3A_12 : vector<1x256x1xf32> to vector<256x1xf32>
    %get3A_14 = arith.constant 0 : index
    %get3A_15 = arith.constant 0 : index
    %get3A_16 = arith.constant 0 : index
    %get3A_17 = vector.load %arg2[%get3A_14, %get3A_15, %get3A_16] : memref<1x3x2048xf32, #tpu.memory_space<vmem>>, vector<1x1x2048xf32>
    %get3A_18 = vector.shape_cast %get3A_17 : vector<1x1x2048xf32> to vector<1x2048xf32>
    %get3A_19 = arith.constant 0 : index
    %get3A_20 = arith.constant 1 : index
    %get3A_21 = arith.constant 0 : index
    %get3A_22 = vector.load %arg2[%get3A_19, %get3A_20, %get3A_21] : memref<1x3x2048xf32, #tpu.memory_space<vmem>>, vector<1x1x2048xf32>
    %get3A_23 = vector.shape_cast %get3A_22 : vector<1x1x2048xf32> to vector<1x2048xf32>
    %get3A_24 = arith.constant 0 : index
    %get3A_25 = arith.constant 2 : index
    %get3A_26 = arith.constant 0 : index
    %get3A_27 = vector.load %arg2[%get3A_24, %get3A_25, %get3A_26] : memref<1x3x2048xf32, #tpu.memory_space<vmem>>, vector<1x1x2048xf32>
    %get3A_28 = vector.shape_cast %get3A_27 : vector<1x1x2048xf32> to vector<1x2048xf32>
    %mul3A = arith.mulf %get3A_3, %get3A_3 : vector<256x1xf32>
    %mul3A_29 = arith.mulf %get3A_8, %get3A_8 : vector<256x1xf32>
    %add3A = arith.addf %mul3A, %mul3A_29 : vector<256x1xf32>
    %mul3A_30 = arith.mulf %get3A_13, %get3A_13 : vector<256x1xf32>
    %add3A_31 = arith.addf %add3A, %mul3A_30 : vector<256x1xf32>
    %mul3A_32 = arith.mulf %get3A_18, %get3A_18 : vector<1x2048xf32>
    %mul3A_33 = arith.mulf %get3A_23, %get3A_23 : vector<1x2048xf32>
    %add3A_34 = arith.addf %mul3A_32, %mul3A_33 : vector<1x2048xf32>
    %mul3A_35 = arith.mulf %get3A_28, %get3A_28 : vector<1x2048xf32>
    %add3A_36 = arith.addf %add3A_34, %mul3A_35 : vector<1x2048xf32>
    %get3A_37 = arith.constant 0 : index
    %get3A_38 = arith.constant 0 : index
    %get3A_39 = arith.constant 0 : index
    %get3A_40 = vector.load %arg1[%get3A_37, %get3A_38, %get3A_39] : memref<1x256x3xf32, #tpu.memory_space<vmem>>, vector<1x256x3xf32>
    %get3A_41 = vector.shape_cast %get3A_40 : vector<1x256x3xf32> to vector<256x3xf32>
    %convert_element_type3A = arith.truncf %get3A_41 : vector<256x3xf32> to vector<256x3xbf16>
    %get3A_42 = arith.constant 0 : index
    %get3A_43 = arith.constant 0 : index
    %get3A_44 = arith.constant 0 : index
    %get3A_45 = vector.load %arg2[%get3A_42, %get3A_43, %get3A_44] : memref<1x3x2048xf32, #tpu.memory_space<vmem>>, vector<1x3x2048xf32>
    %get3A_46 = vector.shape_cast %get3A_45 : vector<1x3x2048xf32> to vector<3x2048xf32>
    %convert_element_type3A_47 = arith.truncf %get3A_46 : vector<3x2048xf32> to vector<3x2048xbf16>
    %dot_general3A = arith.constant dense<0.000000e+00> : vector<256x2048xf32>
    %dot_general3A_48 = tpu.matmul %convert_element_type3A, %convert_element_type3A_47, %dot_general3A {dimension_numbers = #tpu.dot_dimension_numbers<[1], [0], [0], [1], [0, 0, 1, 1], [], []>, transpose_lhs_hint = false} : vector<256x3xbf16>, vector<3x2048xbf16>, vector<256x2048xf32> -> vector<256x2048xf32>
    %mul3A_49 = arith.constant 2.000000e+00 : f32
    %mul3A_50 = vector.broadcast %mul3A_49 : f32 to vector<256x2048xf32>
    %mul3A_51 = arith.mulf %mul3A_50, %dot_general3A_48 : vector<256x2048xf32>
    %sub3A = vector.broadcast %add3A_31 : vector<256x1xf32> to vector<256x2048xf32>
    %sub3A_52 = arith.subf %sub3A, %mul3A_51 : vector<256x2048xf32>
    %add3A_53 = vector.broadcast %add3A_36 : vector<1x2048xf32> to vector<256x2048xf32>
    %add3A_54 = arith.addf %sub3A_52, %add3A_53 : vector<256x2048xf32>
    %iota3A = tpu.iota {dimensions = array<i32: 1>} : vector<256x2048xi32>
    %iota3A_55 = tpu.iota {dimensions = array<i32: 1>} : vector<256x32xi32>
    %scan3A = arith.constant 3.000000e+38 : f32
    %scan3A_56 = arith.constant 0 : i32
    %scan3A_57 = arith.constant 32 : i32
    %scan3A_58 = arith.addi %scan3A_56, %scan3A_57 : i32
    %scan3A_59 = arith.constant 1 : i32
    %scan3A_60 = scf.for %scan3A_70 = %scan3A_56 to %scan3A_58 step %scan3A_59 iter_args(%scan3A_71 = %add3A_54) -> (vector<256x2048xf32>)  : i32 {
      %reduce_min3A = arith.constant dense<0x7F800000> : vector<256xf32>
      %reduce_min3A_72 = vector.multi_reduction <minimumf>, %scan3A_71, %reduce_min3A [1] : vector<256x2048xf32> to vector<256xf32>
      %broadcast_in_dim3A = vector.shape_cast %reduce_min3A_72 : vector<256xf32> to vector<256x1xf32>
      %eq3A = vector.broadcast %broadcast_in_dim3A : vector<256x1xf32> to vector<256x2048xf32>
      %eq3A_73 = arith.cmpf oeq, %scan3A_71, %eq3A : vector<256x2048xf32>
      %jit3A = arith.constant 2048 : i32
      %broadcast_in_dim3A_74 = vector.broadcast %jit3A : i32 to vector<256x2048xi32>
      %select_n3A = arith.select %eq3A_73, %iota3A, %broadcast_in_dim3A_74 : vector<256x2048xi1>, vector<256x2048xi32>
      %reduce_min3A_75 = arith.constant dense<2147483647> : vector<256xi32>
      %reduce_min3A_76 = vector.multi_reduction <minsi>, %select_n3A, %reduce_min3A_75 [1] : vector<256x2048xi32> to vector<256xi32>
      %broadcast_in_dim3A_77 = vector.shape_cast %reduce_min3A_76 : vector<256xi32> to vector<256x1xi32>
      %eq3A_78 = vector.broadcast %scan3A_70 : i32 to vector<256x32xi32>
      %eq3A_79 = arith.cmpi eq, %iota3A_55, %eq3A_78 : vector<256x32xi32>
      %mul3A_80 = arith.constant 2048 : i32
      %mul3A_81 = arith.muli %arg0, %mul3A_80 : i32
      %add3A_82 = vector.broadcast %mul3A_81 : i32 to vector<256x1xi32>
      %add3A_83 = arith.addi %broadcast_in_dim3A_77, %add3A_82 : vector<256x1xi32>
      %broadcast_in_dim3A_84 = vector.shape_cast %add3A_83 : vector<256x1xi32> to vector<256x1xi32>
      %broadcast_in_dim3A_85 = vector.broadcast %broadcast_in_dim3A_84 : vector<256x1xi32> to vector<256x32xi32>
      %get3A_86 = arith.constant 0 : index
      %get3A_87 = arith.constant 0 : index
      %get3A_88 = vector.load %arg4[%get3A_86, %get3A_87] : memref<256x32xi32, #tpu.memory_space<vmem>>, vector<256x32xi32>
      %select_n3A_89 = arith.select %eq3A_79, %broadcast_in_dim3A_85, %get3A_88 : vector<256x32xi1>, vector<256x32xi32>
      %swap3A_90 = arith.constant 0 : index
      %swap3A_91 = arith.constant 0 : index
      %swap3A_92 = vector.load %arg4[%swap3A_90, %swap3A_91] : memref<256x32xi32, #tpu.memory_space<vmem>>, vector<256x32xi32>
      tpu.vector_store %arg4[%swap3A_90, %swap3A_91], %select_n3A_89 {strides = array<i32>} : memref<256x32xi32, #tpu.memory_space<vmem>>, vector<256x32xi32>,
      %eq3A_93 = vector.broadcast %broadcast_in_dim3A_77 : vector<256x1xi32> to vector<256x2048xi32>
      %eq3A_94 = arith.cmpi eq, %iota3A, %eq3A_93 : vector<256x2048xi32>
      %broadcast_in_dim3A_95 = vector.broadcast %scan3A : f32 to vector<256x2048xf32>
      %select_n3A_96 = arith.select %eq3A_94, %broadcast_in_dim3A_95, %scan3A_71 : vector<256x2048xi1>, vector<256x2048xf32>
      scf.yield %select_n3A_96 : vector<256x2048xf32>
    }
    %scan3A_61 = arith.constant 32 : i32
    %get3A_62 = arith.constant 0 : index
    %get3A_63 = arith.constant 0 : index
    %get3A_64 = vector.load %arg4[%get3A_62, %get3A_63] : memref<256x32xi32, #tpu.memory_space<vmem>>, vector<256x32xi32>
    %swap3A = arith.constant 0 : index
    %swap3A_65 = arith.constant 0 : index
    %swap3A_66 = arith.constant 0 : index
    %swap3A_67 = vector.load %arg3[%swap3A, %swap3A_65, %swap3A_66] : memref<1x256x32xi32, #tpu.memory_space<vmem>>, vector<1x256x32xi32>
    %swap3A_68 = vector.shape_cast %swap3A_67 : vector<1x256x32xi32> to vector<256x32xi32>
    %swap3A_69 = vector.shape_cast %get3A_64 : vector<256x32xi32> to vector<1x256x32xi32>
    tpu.vector_store %arg3[%swap3A, %swap3A_65, %swap3A_66], %swap3A_69 {strides = array<i32>} : memref<1x256x32xi32, #tpu.memory_space<vmem>>, vector<1x256x32xi32>,
    return
  }
  func.func @transform_0(%arg0: i32) -> (i32, i32, i32) {
    %c0_i32 = arith.constant 0 : i32
    %c0_i32_0 = arith.constant 0 : i32
    %c0_i32_1 = arith.constant 0 : i32
    return %arg0, %c0_i32, %c0_i32_0 : i32, i32, i32
  }
  func.func @transform_1(%arg0: i32) -> (i32, i32, i32) {
    %c0_i32 = arith.constant 0 : i32
    %c0_i32_0 = arith.constant 0 : i32
    %c0_i32_1 = arith.constant 0 : i32
    return %arg0, %c0_i32, %c0_i32_0 : i32, i32, i32
  }
  func.func @transform_2(%arg0: i32) -> (i32, i32, i32) {
    %c0_i32 = arith.constant 0 : i32
    %c0_i32_0 = arith.constant 0 : i32
    %c0_i32_1 = arith.constant 0 : i32
    return %arg0, %c0_i32, %c0_i32_0 : i32, i32, i32
  }
}

module attributes {stable_mosaic.version = 14 : i64} {
  func.func @_tmat_body(%arg0: memref<2048x128xf32, #tpu.memory_space<vmem>>, %arg1: memref<256x128xf32, #tpu.memory_space<vmem>>, %arg2: memref<2048x256xf32, #tpu.memory_space<vmem>>) attributes {dimension_semantics = [], scalar_prefetch = 0 : i64, scratch_operands = 0 : i64, tpu.core_type = #tpu.core_type<tc>} {
    %get3A = arith.constant 0 : index
    %get3A_0 = arith.constant 0 : index
    %get3A_1 = vector.load %arg0[%get3A, %get3A_0] : memref<2048x128xf32, #tpu.memory_space<vmem>>, vector<2048x128xf32>
    %convert_element_type3A = arith.truncf %get3A_1 : vector<2048x128xf32> to vector<2048x128xbf16>
    %get3A_2 = arith.constant 0 : index
    %get3A_3 = arith.constant 0 : index
    %get3A_4 = vector.load %arg1[%get3A_2, %get3A_3] : memref<256x128xf32, #tpu.memory_space<vmem>>, vector<256x128xf32>
    %convert_element_type3A_5 = arith.truncf %get3A_4 : vector<256x128xf32> to vector<256x128xbf16>
    %dot_general3A = arith.constant dense<0.000000e+00> : vector<2048x256xf32>
    %dot_general3A_6 = tpu.matmul %convert_element_type3A, %convert_element_type3A_5, %dot_general3A {dimension_numbers = #tpu.dot_dimension_numbers<[1], [1], [0], [0], [0, 0, 1, 0], [], []>, transpose_lhs_hint = false} : vector<2048x128xbf16>, vector<256x128xbf16>, vector<2048x256xf32> -> vector<2048x256xf32>
    %swap3A = arith.constant 0 : index
    %swap3A_7 = arith.constant 0 : index
    %swap3A_8 = vector.load %arg2[%swap3A, %swap3A_7] : memref<2048x256xf32, #tpu.memory_space<vmem>>, vector<2048x256xf32>
    tpu.vector_store %arg2[%swap3A, %swap3A_7], %dot_general3A_6 {strides = array<i32>} : memref<2048x256xf32, #tpu.memory_space<vmem>>, vector<2048x256xf32>,
    return
  }
}

module attributes {stable_mosaic.version = 14 : i64} {
  func.func @_pass1_body(%arg0: i32, %arg1: memref<2048x128xf32, #tpu.memory_space<vmem>>, %arg2: memref<64x256xf32, #tpu.memory_space<vmem>>, %arg3: memref<256x128xf32, #tpu.memory_space<vmem>>, %arg4: memref<2x256xf32, #tpu.memory_space<vmem>>) attributes {dimension_semantics = [#tpu.dimension_semantics<arbitrary>], iteration_bounds = array<i64: 32>, scalar_prefetch = 0 : i64, scratch_operands = 0 : i64, tpu.core_type = #tpu.core_type<tc>, window_params = [{transform_indices = @transform_0, window_bounds = array<i64: 2048, 128>}, {transform_indices = @transform_1, window_bounds = array<i64: 64, 256>}, {pipeline_mode = #tpu.pipeline_mode<synchronous>, transform_indices = @transform_2, window_bounds = array<i64: 256, 128>}, {pipeline_mode = #tpu.pipeline_mode<synchronous>, transform_indices = @transform_3, window_bounds = array<i64: 2, 256>}]} {
    %get3A = arith.constant 0 : index
    %get3A_0 = arith.constant 0 : index
    %get3A_1 = vector.load %arg1[%get3A, %get3A_0] : memref<2048x128xf32, #tpu.memory_space<vmem>>, vector<2048x128xf32>
    %convert_element_type3A = arith.truncf %get3A_1 : vector<2048x128xf32> to vector<2048x128xbf16>
    %get3A_2 = arith.constant 0 : index
    %get3A_3 = arith.constant 0 : index
    %get3A_4 = vector.load %arg3[%get3A_2, %get3A_3] : memref<256x128xf32, #tpu.memory_space<vmem>>, vector<256x128xf32>
    %convert_element_type3A_5 = arith.truncf %get3A_4 : vector<256x128xf32> to vector<256x128xbf16>
    %dot_general3A = arith.constant dense<0.000000e+00> : vector<2048x256xf32>
    %dot_general3A_6 = tpu.matmul %convert_element_type3A, %convert_element_type3A_5, %dot_general3A {dimension_numbers = #tpu.dot_dimension_numbers<[1], [1], [0], [0], [0, 0, 1, 0], [], []>, transpose_lhs_hint = false} : vector<2048x128xbf16>, vector<256x128xbf16>, vector<2048x256xf32> -> vector<2048x256xf32>
    %get3A_7 = arith.constant 0 : index
    %get3A_8 = arith.constant 0 : index
    %get3A_9 = vector.load %arg2[%get3A_7, %get3A_8] : memref<64x256xf32, #tpu.memory_space<vmem>>, vector<64x256xf32>
    %reshape3A = vector.shape_cast %dot_general3A_6 : vector<2048x256xf32> to vector<64x32x256xf32>
    %broadcast_in_dim3A = vector.shape_cast %get3A_9 : vector<64x256xf32> to vector<64x1x256xf32>
    %add3A = vector.broadcast %broadcast_in_dim3A : vector<64x1x256xf32> to vector<64x32x256xf32>
    %add3A_10 = arith.addf %reshape3A, %add3A : vector<64x32x256xf32>
    %reshape3A_11 = vector.shape_cast %add3A_10 : vector<64x32x256xf32> to vector<2048x256xf32>
    %eq3A = arith.constant 0 : i32
    %eq3A_12 = arith.cmpi eq, %arg0, %eq3A : i32
    %convert_element_type3A_13 = arith.extui %eq3A_12 : i1 to i32
    %cond3A = arith.constant 0 : i32
    %cond3A_14 = arith.cmpi ne, %convert_element_type3A_13, %cond3A : i32
    scf.if %cond3A_14 {
      %broadcast_in_dim3A_26 = arith.constant 0.000000e+00 : f32
      %broadcast_in_dim3A_27 = vector.broadcast %broadcast_in_dim3A_26 : f32 to vector<2x256xf32>
      %swap3A_28 = arith.constant 0 : index
      %swap3A_29 = arith.constant 0 : index
      %swap3A_30 = vector.load %arg4[%swap3A_28, %swap3A_29] : memref<2x256xf32, #tpu.memory_space<vmem>>, vector<2x256xf32>
      tpu.vector_store %arg4[%swap3A_28, %swap3A_29], %broadcast_in_dim3A_27 {strides = array<i32>} : memref<2x256xf32, #tpu.memory_space<vmem>>, vector<2x256xf32>,
    } else {
    }
    %reduce_sum3A = arith.constant dense<0.000000e+00> : vector<256xf32>
    %reduce_sum3A_15 = vector.multi_reduction <add>, %reshape3A_11, %reduce_sum3A [0] : vector<2048x256xf32> to vector<256xf32>
    %mul3A = arith.mulf %reshape3A_11, %reshape3A_11 : vector<2048x256xf32>
    %reduce_sum3A_16 = arith.constant dense<0.000000e+00> : vector<256xf32>
    %reduce_sum3A_17 = vector.multi_reduction <add>, %mul3A, %reduce_sum3A_16 [0] : vector<2048x256xf32> to vector<256xf32>
    %get3A_18 = arith.constant 0 : index
    %get3A_19 = arith.constant 0 : index
    %get3A_20 = vector.load %arg4[%get3A_18, %get3A_19] : memref<2x256xf32, #tpu.memory_space<vmem>>, vector<2x256xf32>
    %stack3A = vector.shape_cast %reduce_sum3A_15 : vector<256xf32> to vector<1x256xf32>
    %stack3A_21 = vector.shape_cast %reduce_sum3A_17 : vector<256xf32> to vector<1x256xf32>
    %stack3A_22 = tpu.concatenate %stack3A, %stack3A_21 in 0 : vector<1x256xf32>, vector<1x256xf32> -> vector<2x256xf32>
    %add3A_23 = arith.addf %get3A_20, %stack3A_22 : vector<2x256xf32>
    %swap3A = arith.constant 0 : index
    %swap3A_24 = arith.constant 0 : index
    %swap3A_25 = vector.load %arg4[%swap3A, %swap3A_24] : memref<2x256xf32, #tpu.memory_space<vmem>>, vector<2x256xf32>
    tpu.vector_store %arg4[%swap3A, %swap3A_24], %add3A_23 {strides = array<i32>} : memref<2x256xf32, #tpu.memory_space<vmem>>, vector<2x256xf32>,
    return
  }
  func.func @transform_0(%arg0: i32) -> (i32, i32) {
    %c0_i32 = arith.constant 0 : i32
    %c0_i32_0 = arith.constant 0 : i32
    return %arg0, %c0_i32 : i32, i32
  }
  func.func @transform_1(%arg0: i32) -> (i32, i32) {
    %c0_i32 = arith.constant 0 : i32
    %c0_i32_0 = arith.constant 0 : i32
    return %arg0, %c0_i32 : i32, i32
  }
  func.func @transform_2(%arg0: i32) -> (i32, i32) {
    %c0_i32 = arith.constant 0 : i32
    %c0_i32_0 = arith.constant 0 : i32
    %c0_i32_1 = arith.constant 0 : i32
    return %c0_i32, %c0_i32_0 : i32, i32
  }
  func.func @transform_3(%arg0: i32) -> (i32, i32) {
    %c0_i32 = arith.constant 0 : i32
    %c0_i32_0 = arith.constant 0 : i32
    %c0_i32_1 = arith.constant 0 : i32
    return %c0_i32, %c0_i32_0 : i32, i32
  }
}

module attributes {stable_mosaic.version = 14 : i64} {
  func.func @_pass2_body(%arg0: i32, %arg1: memref<2048x128xf32, #tpu.memory_space<vmem>>, %arg2: memref<64x256xf32, #tpu.memory_space<vmem>>, %arg3: memref<256x128xf32, #tpu.memory_space<vmem>>, %arg4: memref<256x256xf32, #tpu.memory_space<vmem>>, %arg5: memref<2x256xf32, #tpu.memory_space<vmem>>, %arg6: memref<64x256xf32, #tpu.memory_space<vmem>>, %arg7: memref<2x256xf32, #tpu.memory_space<vmem>>) attributes {dimension_semantics = [#tpu.dimension_semantics<arbitrary>], iteration_bounds = array<i64: 32>, scalar_prefetch = 0 : i64, scratch_operands = 0 : i64, tpu.core_type = #tpu.core_type<tc>, window_params = [{transform_indices = @transform_0, window_bounds = array<i64: 2048, 128>}, {transform_indices = @transform_1, window_bounds = array<i64: 64, 256>}, {pipeline_mode = #tpu.pipeline_mode<synchronous>, transform_indices = @transform_2, window_bounds = array<i64: 256, 128>}, {pipeline_mode = #tpu.pipeline_mode<synchronous>, transform_indices = @transform_3, window_bounds = array<i64: 256, 256>}, {pipeline_mode = #tpu.pipeline_mode<synchronous>, transform_indices = @transform_4, window_bounds = array<i64: 2, 256>}, {transform_indices = @transform_5, window_bounds = array<i64: 64, 256>}, {pipeline_mode = #tpu.pipeline_mode<synchronous>, transform_indices = @transform_6, window_bounds = array<i64: 2, 256>}]} {
    %get3A = arith.constant 0 : index
    %get3A_0 = arith.constant 0 : index
    %get3A_1 = vector.load %arg1[%get3A, %get3A_0] : memref<2048x128xf32, #tpu.memory_space<vmem>>, vector<2048x128xf32>
    %convert_element_type3A = arith.truncf %get3A_1 : vector<2048x128xf32> to vector<2048x128xbf16>
    %get3A_2 = arith.constant 0 : index
    %get3A_3 = arith.constant 0 : index
    %get3A_4 = vector.load %arg3[%get3A_2, %get3A_3] : memref<256x128xf32, #tpu.memory_space<vmem>>, vector<256x128xf32>
    %convert_element_type3A_5 = arith.truncf %get3A_4 : vector<256x128xf32> to vector<256x128xbf16>
    %dot_general3A = arith.constant dense<0.000000e+00> : vector<2048x256xf32>
    %dot_general3A_6 = tpu.matmul %convert_element_type3A, %convert_element_type3A_5, %dot_general3A {dimension_numbers = #tpu.dot_dimension_numbers<[1], [1], [0], [0], [0, 0, 1, 0], [], []>, transpose_lhs_hint = false} : vector<2048x128xbf16>, vector<256x128xbf16>, vector<2048x256xf32> -> vector<2048x256xf32>
    %get3A_7 = arith.constant 0 : index
    %get3A_8 = arith.constant 0 : index
    %get3A_9 = vector.load %arg2[%get3A_7, %get3A_8] : memref<64x256xf32, #tpu.memory_space<vmem>>, vector<64x256xf32>
    %reshape3A = vector.shape_cast %dot_general3A_6 : vector<2048x256xf32> to vector<64x32x256xf32>
    %broadcast_in_dim3A = vector.shape_cast %get3A_9 : vector<64x256xf32> to vector<64x1x256xf32>
    %add3A = vector.broadcast %broadcast_in_dim3A : vector<64x1x256xf32> to vector<64x32x256xf32>
    %add3A_10 = arith.addf %reshape3A, %add3A : vector<64x32x256xf32>
    %reshape3A_11 = vector.shape_cast %add3A_10 : vector<64x32x256xf32> to vector<2048x256xf32>
    %get3A_12 = arith.constant 0 : index
    %get3A_13 = arith.constant 0 : index
    %get3A_14 = vector.load %arg5[%get3A_12, %get3A_13] : memref<2x256xf32, #tpu.memory_space<vmem>>, vector<1x256xf32>
    %get3A_15 = vector.shape_cast %get3A_14 : vector<1x256xf32> to vector<256xf32>
    %get3A_16 = arith.constant 1 : index
    %get3A_17 = arith.constant 0 : index
    %get3A_18 = vector.load %arg5[%get3A_16, %get3A_17] : memref<2x256xf32, #tpu.memory_space<vmem>>, vector<1x256xf32>
    %get3A_19 = vector.shape_cast %get3A_18 : vector<1x256xf32> to vector<256xf32>
    %broadcast_in_dim3A_20 = vector.shape_cast %get3A_15 : vector<256xf32> to vector<1x256xf32>
    %mul3A = vector.broadcast %broadcast_in_dim3A_20 : vector<1x256xf32> to vector<2048x256xf32>
    %mul3A_21 = arith.mulf %reshape3A_11, %mul3A : vector<2048x256xf32>
    %broadcast_in_dim3A_22 = vector.shape_cast %get3A_19 : vector<256xf32> to vector<1x256xf32>
    %add3A_23 = vector.broadcast %broadcast_in_dim3A_22 : vector<1x256xf32> to vector<2048x256xf32>
    %add3A_24 = arith.addf %mul3A_21, %add3A_23 : vector<2048x256xf32>
    %max3A = arith.constant 0.000000e+00 : f32
    %max3A_25 = vector.broadcast %max3A : f32 to vector<2048x256xf32>
    %max3A_26 = arith.maximumf %add3A_24, %max3A_25 : vector<2048x256xf32>
    %convert_element_type3A_27 = arith.truncf %max3A_26 : vector<2048x256xf32> to vector<2048x256xbf16>
    %get3A_28 = arith.constant 0 : index
    %get3A_29 = arith.constant 0 : index
    %get3A_30 = vector.load %arg4[%get3A_28, %get3A_29] : memref<256x256xf32, #tpu.memory_space<vmem>>, vector<256x256xf32>
    %convert_element_type3A_31 = arith.truncf %get3A_30 : vector<256x256xf32> to vector<256x256xbf16>
    %dot_general3A_32 = arith.constant dense<0.000000e+00> : vector<2048x256xf32>
    %dot_general3A_33 = tpu.matmul %convert_element_type3A_27, %convert_element_type3A_31, %dot_general3A_32 {dimension_numbers = #tpu.dot_dimension_numbers<[1], [1], [0], [0], [0, 0, 1, 0], [], []>, transpose_lhs_hint = false} : vector<2048x256xbf16>, vector<256x256xbf16>, vector<2048x256xf32> -> vector<2048x256xf32>
    %eq3A = arith.constant 0 : i32
    %eq3A_34 = arith.cmpi eq, %arg0, %eq3A : i32
    %convert_element_type3A_35 = arith.extui %eq3A_34 : i1 to i32
    %cond3A = arith.constant 0 : i32
    %cond3A_36 = arith.cmpi ne, %convert_element_type3A_35, %cond3A : i32
    scf.if %cond3A_36 {
      %broadcast_in_dim3A_54 = arith.constant 0.000000e+00 : f32
      %broadcast_in_dim3A_55 = vector.broadcast %broadcast_in_dim3A_54 : f32 to vector<2x256xf32>
      %swap3A_56 = arith.constant 0 : index
      %swap3A_57 = arith.constant 0 : index
      %swap3A_58 = vector.load %arg7[%swap3A_56, %swap3A_57] : memref<2x256xf32, #tpu.memory_space<vmem>>, vector<2x256xf32>
      tpu.vector_store %arg7[%swap3A_56, %swap3A_57], %broadcast_in_dim3A_55 {strides = array<i32>} : memref<2x256xf32, #tpu.memory_space<vmem>>, vector<2x256xf32>,
    } else {
    }
    %reduce_sum3A = arith.constant dense<0.000000e+00> : vector<256xf32>
    %reduce_sum3A_37 = vector.multi_reduction <add>, %dot_general3A_33, %reduce_sum3A [0] : vector<2048x256xf32> to vector<256xf32>
    %mul3A_38 = arith.mulf %dot_general3A_33, %dot_general3A_33 : vector<2048x256xf32>
    %reduce_sum3A_39 = arith.constant dense<0.000000e+00> : vector<256xf32>
    %reduce_sum3A_40 = vector.multi_reduction <add>, %mul3A_38, %reduce_sum3A_39 [0] : vector<2048x256xf32> to vector<256xf32>
    %get3A_41 = arith.constant 0 : index
    %get3A_42 = arith.constant 0 : index
    %get3A_43 = vector.load %arg7[%get3A_41, %get3A_42] : memref<2x256xf32, #tpu.memory_space<vmem>>, vector<2x256xf32>
    %stack3A = vector.shape_cast %reduce_sum3A_37 : vector<256xf32> to vector<1x256xf32>
    %stack3A_44 = vector.shape_cast %reduce_sum3A_40 : vector<256xf32> to vector<1x256xf32>
    %stack3A_45 = tpu.concatenate %stack3A, %stack3A_44 in 0 : vector<1x256xf32>, vector<1x256xf32> -> vector<2x256xf32>
    %add3A_46 = arith.addf %get3A_43, %stack3A_45 : vector<2x256xf32>
    %swap3A = arith.constant 0 : index
    %swap3A_47 = arith.constant 0 : index
    %swap3A_48 = vector.load %arg7[%swap3A, %swap3A_47] : memref<2x256xf32, #tpu.memory_space<vmem>>, vector<2x256xf32>
    tpu.vector_store %arg7[%swap3A, %swap3A_47], %add3A_46 {strides = array<i32>} : memref<2x256xf32, #tpu.memory_space<vmem>>, vector<2x256xf32>,
    %reshape3A_49 = vector.shape_cast %dot_general3A_33 : vector<2048x256xf32> to vector<64x32x256xf32>
    %reduce_max3A = arith.constant dense<0xFF800000> : vector<64x256xf32>
    %reduce_max3A_50 = vector.multi_reduction <maximumf>, %reshape3A_49, %reduce_max3A [1] : vector<64x32x256xf32> to vector<64x256xf32>
    %swap3A_51 = arith.constant 0 : index
    %swap3A_52 = arith.constant 0 : index
    %swap3A_53 = vector.load %arg6[%swap3A_51, %swap3A_52] : memref<64x256xf32, #tpu.memory_space<vmem>>, vector<64x256xf32>
    tpu.vector_store %arg6[%swap3A_51, %swap3A_52], %reduce_max3A_50 {strides = array<i32>} : memref<64x256xf32, #tpu.memory_space<vmem>>, vector<64x256xf32>,
    return
  }
  func.func @transform_0(%arg0: i32) -> (i32, i32) {
    %c0_i32 = arith.constant 0 : i32
    %c0_i32_0 = arith.constant 0 : i32
    return %arg0, %c0_i32 : i32, i32
  }
  func.func @transform_1(%arg0: i32) -> (i32, i32) {
    %c0_i32 = arith.constant 0 : i32
    %c0_i32_0 = arith.constant 0 : i32
    return %arg0, %c0_i32 : i32, i32
  }
  func.func @transform_2(%arg0: i32) -> (i32, i32) {
    %c0_i32 = arith.constant 0 : i32
    %c0_i32_0 = arith.constant 0 : i32
    %c0_i32_1 = arith.constant 0 : i32
    return %c0_i32, %c0_i32_0 : i32, i32
  }
  func.func @transform_3(%arg0: i32) -> (i32, i32) {
    %c0_i32 = arith.constant 0 : i32
    %c0_i32_0 = arith.constant 0 : i32
    %c0_i32_1 = arith.constant 0 : i32
    return %c0_i32, %c0_i32_0 : i32, i32
  }
  func.func @transform_4(%arg0: i32) -> (i32, i32) {
    %c0_i32 = arith.constant 0 : i32
    %c0_i32_0 = arith.constant 0 : i32
    %c0_i32_1 = arith.constant 0 : i32
    return %c0_i32, %c0_i32_0 : i32, i32
  }
  func.func @transform_5(%arg0: i32) -> (i32, i32) {
    %c0_i32 = arith.constant 0 : i32
    %c0_i32_0 = arith.constant 0 : i32
    return %arg0, %c0_i32 : i32, i32
  }
  func.func @transform_6(%arg0: i32) -> (i32, i32) {
    %c0_i32 = arith.constant 0 : i32
    %c0_i32_0 = arith.constant 0 : i32
    %c0_i32_1 = arith.constant 0 : i32
    return %c0_i32, %c0_i32_0 : i32, i32
  }
}

module attributes {stable_mosaic.version = 14 : i64} {
  func.func @_finish_body(%arg0: memref<2048x256xf32, #tpu.memory_space<vmem>>, %arg1: memref<2x256xf32, #tpu.memory_space<vmem>>, %arg2: memref<2048x256xf32, #tpu.memory_space<vmem>>) attributes {dimension_semantics = [], scalar_prefetch = 0 : i64, scratch_operands = 0 : i64, tpu.core_type = #tpu.core_type<tc>} {
    %get3A = arith.constant 0 : index
    %get3A_0 = arith.constant 0 : index
    %get3A_1 = vector.load %arg1[%get3A, %get3A_0] : memref<2x256xf32, #tpu.memory_space<vmem>>, vector<1x256xf32>
    %get3A_2 = vector.shape_cast %get3A_1 : vector<1x256xf32> to vector<256xf32>
    %get3A_3 = arith.constant 1 : index
    %get3A_4 = arith.constant 0 : index
    %get3A_5 = vector.load %arg1[%get3A_3, %get3A_4] : memref<2x256xf32, #tpu.memory_space<vmem>>, vector<1x256xf32>
    %get3A_6 = vector.shape_cast %get3A_5 : vector<1x256xf32> to vector<256xf32>
    %get3A_7 = arith.constant 0 : index
    %get3A_8 = arith.constant 0 : index
    %get3A_9 = vector.load %arg0[%get3A_7, %get3A_8] : memref<2048x256xf32, #tpu.memory_space<vmem>>, vector<2048x256xf32>
    %broadcast_in_dim3A = vector.shape_cast %get3A_2 : vector<256xf32> to vector<1x256xf32>
    %mul3A = vector.broadcast %broadcast_in_dim3A : vector<1x256xf32> to vector<2048x256xf32>
    %mul3A_10 = arith.mulf %get3A_9, %mul3A : vector<2048x256xf32>
    %broadcast_in_dim3A_11 = vector.shape_cast %get3A_6 : vector<256xf32> to vector<1x256xf32>
    %add3A = vector.broadcast %broadcast_in_dim3A_11 : vector<1x256xf32> to vector<2048x256xf32>
    %add3A_12 = arith.addf %mul3A_10, %add3A : vector<2048x256xf32>
    %max3A = arith.constant 0.000000e+00 : f32
    %max3A_13 = vector.broadcast %max3A : f32 to vector<2048x256xf32>
    %max3A_14 = arith.maximumf %add3A_12, %max3A_13 : vector<2048x256xf32>
    %swap3A = arith.constant 0 : index
    %swap3A_15 = arith.constant 0 : index
    %swap3A_16 = vector.load %arg2[%swap3A, %swap3A_15] : memref<2048x256xf32, #tpu.memory_space<vmem>>, vector<2048x256xf32>
    tpu.vector_store %arg2[%swap3A, %swap3A_15], %max3A_14 {strides = array<i32>} : memref<2048x256xf32, #tpu.memory_space<vmem>>, vector<2048x256xf32>,
    return
  }
}

</mosaic_0001>

<sc_bundles>
// kernel: gather_offload_async_start.1
scs
__scs_entry_jumppad:
0x0: {  	(pc) =	sbr.rel $0x88, $3  }
0x1: {  	(tag) =	ssettag $0x0;
	lr =	simm.s32 $0x1  }
0x2: {  	[smem:$0x3F99] =	sst lr;
	_ =	strace $0xD0000000  }
0x3: {  	_ = 	snop  }
0x4: {  	_ = 	snop  }
0x5: {  	_ = 	snop  }
0x6: {  	_ = 	snop  }
0x7: {  	_ = 	snop  }
__scs_overlays_trampoline_lowered:
0x8: {  	[smem:$0x3FA8] =	sst s0  }
0x9: {  	[smem:$0x3FA9] =	sst s1  }
0xa: {  	[smem:$0x3FAA] =	sst s2  }
0xb: {  	[smem:$0x3FAB] =	sst s3  }
0xc: {  	[smem:$0x3FAC] =	sst s4  }
0xd: {  	[smem:$0x3FAD] =	sst s5  }
0xe: {  	[smem:$0x3FAE] =	sst s6  }
0xf: {  	[smem:$0x3FAF] =	sst s7  }
0x10: {  	[smem:$0x3FB0] =	sst s8  }
0x11: {  	[smem:$0x3FB1] =	sst s9;
	s0 =	simm.s32 @!p0 $0x0  }
0x12: {  	s1 =	sld [smem:$0x3F97];
	s0 =	simm.s32 @p0 $0x1  }
0x13: {  	[smem:$0x3FB2] =	sst s0;
	s0 =	simm.s32 @!p1 $0x0  }
0x14: {  	s2 =	sld [smem:$0x3F96];
	s0 =	simm.s32 @p1 $0x1  }
0x15: {  	[smem:$0x3FB3] =	sst s0;
	s0 =	simm.s32 @!p2 $0x0  }
0x16: {  	s3 =	sld [smem:$0x3FDB];
	s0 =	simm.s32 @p2 $0x1  }
0x17: {  	s4 =	simm.s32 $0x1BF5;
	[smem:$0x3FB5] =	sst s0  }
0x18: {  	s0 =	sld [smem:$0x3F98];
	_ =	swait.ge [sflag:s4], $0x0  }
0x19: {  	s7 =	sld [smem:$0x3F99]  }
0x1a: {  	s8 =	sadd.s32 $0xFFFFE003, lr  }
0x1b: {  	s9 =	sadd.s32 $0xFFFFFEF7, lr;
	s5 =	simm.s32 $0xFFFFFFFF;
	p2 =	slt.u32 s8, $0xFFFFF086  }
0x1c: {  	p1 =	slt.u32 s9, $0xF7A;
	s5 =	simm.s32 @!p2 $0x0  }
0x1d: {  	s5 =	simm.s32 @p1 $0x1;
	p0 =	seq.s32 s7, s2  }
0x1e: {  	s7 =	smul.u32 @!p0 $0xF7A, s2;
	p2 =	seq.s32 @!p0 s5, $0x0  }
0x1f: {  	s9 =	smul.u32 $0xF7A, s1;
	s8 =	simm.s32 @!p0 $0x1BF5;
	p2 =	por !p2, p0  }
0x20: {  	[sflag:s8] =	ssyncset.s32 @!p0 $0xFFFFF086;
	s6 =	sadd.s32 @!p0 s3, s7;
	s7 =	simm.s32 @!p0 $0x108  }
0x21: {  	s3 =	sadd.s32 s3, s9;
	s6 =	sadd.s32 @!p0 $0x88, s6;
	s7 =	simm.s32 @p2 $0x1082  }
0x22: {  	[simem:s7], [sflag:s8] =	dma.local @!p0 [hbm:s6], $0xF7A  }
0x23: {  	s9 =	sor.u32 $0xD0000000, s2;
	s6 =	simm.s32 $0x108;
	_ =	swait.ge @!p0 [sflag:s8], $0x0  }
0x24: {  	s3 =	sadd.s32 $0x88, s3;
	s6 =	simm.s32 @!p1 $0x1082;
	[sflag:s4] =	ssyncset.s32 $0xFFFFF086  }
0x25: {  	[simem:s6], [sflag:s4] =	dma.local [hbm:s3], $0xF7A  }
0x26: {  	[smem:$0x3F99] =	sst s1;
	(tag) =	ssettag s2;
	_ =	strace s9  }
0x27: {  	s1 =	sld [smem:$0x3FA9]  }
0x28: {  	s2 =	sld [smem:$0x3FAA]  }
0x29: {  	s4 =	sld [smem:$0x3FAC]  }
0x2a: {  	p0 =	seq.s32 s5, $0x0;
	s5 =	sld [smem:$0x3FAD]  }
0x2b: {  	s6 =	sld [smem:$0x3FAE]  }
0x2c: {  	s7 =	sld [smem:$0x3FAF]  }
0x2d: {  	s3 =	simm.s32 $0x108;
	s8 =	sld [smem:$0x3FB0]  }
0x2e: {  	s3 =	simm.s32 @!p0 $0x1082;
	s9 =	sld [smem:$0x3FB1]  }
0x2f: {  	lr =	sadd.s32 s0, s3;
	s0 =	sld [smem:$0x3FA8]  }
0x30: {  	s3 =	sld [smem:$0x3FAB]  }
0x31: {  	[smem:$0x3FB4] =	sst s10  }
0x32: {  	s10 =	sld [smem:$0x3FB2];
	_ =	sdelay $0x3  }
0x33: {  	p0 =	seq.s32 s10, $0x1;
	s10 =	sld [smem:$0x3FB4];
	_ =	sdelay $0x3  }
0x34: {  	[smem:$0x3FB4] =	sst s10  }
0x35: {  	s10 =	sld [smem:$0x3FB3];
	_ =	sdelay $0x3  }
0x36: {  	p1 =	seq.s32 s10, $0x1;
	s10 =	sld [smem:$0x3FB4];
	_ =	sdelay $0x3  }
0x37: {  	[smem:$0x3FB4] =	sst s10  }
0x38: {  	s10 =	sld [smem:$0x3FB5]  }
0x39: {  	_ = 	snop;
	(pc) =	sbr.ind lr, $3  }
0x3a: {  	_ = 	snop  }
0x3b: {  	_ = 	snop  }
0x3c: {  	p2 =	seq.s32 s10, $0x1;
	s10 =	sld [smem:$0x3FB4]  }
0x3d: {  	_ =	shalt  }
0x3e: {  	_ =	shalt  }
0x3f: {  	_ =	shalt  }
0x40: {  	_ =	shalt  }
0x41: {  	_ =	shalt  }
0x42: {  	_ =	shalt  }
0x43: {  	_ =	shalt  }
0x44: {  	_ =	shalt  }
0x45: {  	_ =	shalt  }
0x46: {  	_ =	shalt  }
0x47: {  	_ =	shalt  }
0x48: {  	_ =	shalt  }
0x49: {  	_ =	shalt  }
0x4a: {  	_ =	shalt  }
0x4b: {  	_ =	shalt  }
0x4c: {  	_ =	shalt  }
0x4d: {  	_ =	shalt  }
0x4e: {  	_ =	shalt  }
0x4f: {  	_ =	shalt  }
0x50: {  	_ =	shalt  }
0x51: {  	_ =	shalt  }
0x52: {  	_ =	shalt  }
0x53: {  	_ =	shalt  }
0x54: {  	_ =	shalt  }
0x55: {  	_ =	shalt  }
0x56: {  	_ =	shalt  }
0x57: {  	_ =	shalt  }
0x58: {  	_ =	shalt  }
0x59: {  	_ =	shalt  }
0x5a: {  	_ =	shalt  }
0x5b: {  	_ =	shalt  }
0x5c: {  	_ =	shalt  }
0x5d: {  	_ =	shalt  }
0x5e: {  	_ =	shalt  }
0x5f: {  	_ =	shalt  }
0x60: {  	_ =	shalt  }
0x61: {  	_ =	shalt  }
0x62: {  	_ =	shalt  }
0x63: {  	_ =	shalt  }
0x64: {  	_ =	shalt  }
0x65: {  	_ =	shalt  }
0x66: {  	_ =	shalt  }
0x67: {  	_ =	shalt  }
0x68: {  	_ =	shalt  }
0x69: {  	_ =	shalt  }
0x6a: {  	_ =	shalt  }
0x6b: {  	_ =	shalt  }
0x6c: {  	_ =	shalt  }
0x6d: {  	_ =	shalt  }
0x6e: {  	_ =	shalt  }
0x6f: {  	_ =	shalt  }
0x70: {  	_ =	shalt  }
0x71: {  	_ =	shalt  }
0x72: {  	_ =	shalt  }
0x73: {  	_ =	shalt  }
0x74: {  	_ =	shalt  }
0x75: {  	_ =	shalt  }
0x76: {  	_ =	shalt  }
0x77: {  	_ =	shalt  }
0x78: {  	_ =	shalt  }
0x79: {  	_ =	shalt  }
0x7a: {  	_ =	shalt  }
0x7b: {  	_ =	shalt  }
0x7c: {  	_ =	shalt  }
0x7d: {  	_ =	shalt  }
0x7e: {  	_ =	shalt  }
0x7f: {  	_ =	shalt  }
0x80: {  	_ =	shalt  }
0x81: {  	_ =	shalt  }
0x82: {  	_ =	shalt  }
0x83: {  	_ =	shalt  }
0x84: {  	_ =	shalt  }
0x85: {  	_ =	shalt  }
0x86: {  	_ =	shalt  }
0x87: {  	_ =	shalt  }
.Lfunc_end0:
.L_simem_size_0:
called_computation.1_lowered:
.L_overlay_start_0:
0x88: {  	s2 =	sld [smem:$0x3FD9]  }
0x89: {  	s3 =	sld [smem:$0x3FFE];
	_ =	sdelay $0x1  }
0x8a: {  	s1 =	srdreg.scid  }
0x8b: {  	s0 =	sand.u32 $0x1, s1  }
0x8c: {  	s15 =	sshll.u32 s0, $0xA;
	s2 =	sadd.s32 s3, s2  }
0x8d: {  	s2 =	sadd.s32 s2, s15  }
0x8e: {  	[smem:$0x3FC0] =	sst s2  }
0x8f: {  	_ = 	snop  }
0x90: {  	s2 =	sld [smem:$0x3FD0];
	_ =	sdelay $0x2  }
0x91: {  	s16 =	simm.s32 $0xB;
	s4 =	simm.s32 $0x10  }
0x92: {  	[smem:s4], [sflag:s16] =	dma.local [hbm:s2], $0x1  }
0x93: {  	_ =	swait.eq [sflag:s16], $0x1  }
0x94: {  	[sflag:s16] =	ssyncset.done $0x0  }
0x95: {  	[sflag:s16] =	ssyncadd.s32 $0xFFFFFFFF  }
0x96: {  	s17 =	sld [smem:$0x11];
	(tm) =	ssettm $0x1  }
0x97: {  	s18 =	sld [smem:$0x3FFB];
	_ =	sdelay $0x3  }
0x98: {  	_ =	strace s18  }
0x99: {  	s2 =	sld [smem:$0x3FFC];
	_ =	sdelay $0x3  }
0x9a: {  	_ =	strace s2  }
0x9b: {  	s2 =	sld [smem:$0x3FFD];
	_ =	sdelay $0x3  }
0x9c: {  	_ =	strace s2  }
0x9d: {  	_ =	strace $0x8FFFFFFF  }
0x9e: {  	s19 =	sld [smem:$0x3FDB];
	_ =	sdelay $0x1  }
0x9f: {  	s20 =	simm.s32 $_scs_section_size  }
0xa0: {  	s5 =	simm.s32 $_size__tile_overlayer_lowered;
	s6 =	simm.s32 $_tile_overlayer_lowered  }
0xa1: {  	s7 =	simm.s32 $0x1BFF;
	s21 =	sshll.u32 s6, $0x1;
	s4 =	sadd.s32 s20, s19  }
0xa2: {  	s22 =	simm.s32 $0x0;
	s5 =	sshll.u32 s5, $0x1;
	s6 =	sadd.s32 s21, s4  }
0xa3: {  	[timem:s22], [sflag:s7] =	dma.local [hbm:s6], s5  }
0xa4: {  	_ =	swait.ge [sflag:s7], s5  }
0xa5: {  	s5 =	ssub.s32 $0x0, s5;
	[sflag:s7] =	ssyncset.done $0x0  }
0xa6: {  	[sflag:s7] =	ssyncadd.s32 s5;
	_ =	sdelay $0x1  }
0xa7: {  	s23 =	simm.s32 $0x1B8B  }
0xa8: {  	_ =	swait.ge [sflag:s23], $0x1  }
0xa9: {  	[sflag:s23] =	ssyncset.done $0x0  }
0xaa: {  	[sflag:s23] =	ssyncadd.s32 $0xFFFFFFFF  }
0xab: {  	s5 =	sld [smem:$0x0]  }
0xac: {  	s6 =	sand.u32 $0xFFFFFFFE, s1  }
0xad: {  	p0 =	sne.s32 s1, s6  }
0xae: {  	s6 =	sshll.u32 @p0 s6, $0xE  }
0xaf: {  	s6 =	sadd.s32 @p0 $0x11B8D, s6;
	s7 =	sshll.u32 @p0 s5, $0x11  }
0xb0: {  	s6 =	sor.u32 @p0 s7, s6  }
0xb1: {  	[sflag:s6] =	ssyncadd.remote.s32 @p0 $0x1;
	_ =	sdelay $0x1  }
0xb2: {  	s6 =	simm.s32 @p0 $0x1B8D  }
0xb3: {  	_ =	swait.eq @p0 [sflag:s6], $0x1  }
0xb4: {  	[sflag:s6] =	ssyncadd.s32 @p0 $0xFFFFFFFF  }
0xb5: {  	s7 =	sshll.u32 @!p0 s1, $0xE  }
0xb6: {  	s7 =	sor.u32 @!p0 $0x4000, s7;
	s6 =	simm.s32 @!p0 $0x1B8D  }
0xb7: {  	s5 =	sshll.u32 @!p0 s5, $0x11;
	s7 =	sadd.s32 @!p0 $0x11B8D, s7;
	_ =	swait.eq @!p0 [sflag:s6], $0x1  }
0xb8: {  	s5 =	sor.u32 @!p0 s5, s7;
	[sflag:s6] =	ssyncadd.s32 @!p0 $0xFFFFFFFF  }
0xb9: {  	s25 =	simm.s32 $0x1B8E;
	s24 =	sld [smem:$0x3FFE];
	[sflag:s5] =	ssyncadd.remote.s32 @!p0 $0x1  }
0xba: {  	s26 =	simm.s32 $execute0_lowered;
	[smem:$0x3FD2] =	sst s25  }
0xbb: {  	s6 =	sshll.u32 s26, $0x1;
	_ =	strace $0x80000049;
	[dreg:$0x1] =	wrdreg $0xFFFFFFFF  }
0xbc: {  	s28 =	simm.s32 $_size_execute0_lowered;
	s4 =	sadd.s32 s4, s6;
	[dreg:$0x0] =	wrdreg $0x0  }
0xbd: {  	s6 =	sshll.u32 s28, $0x1;
	[dreg:$0x2] =	wrdreg s4  }
0xbe: {  	[dreg:$0x3] =	wrdreg s6  }
0xbf: {  	[dreg:$0x4] =	wrdreg $0xC0  }
0xc0: {  	_ =	task [dreg:s22], $0x5FFFF  }
0xc1: {  	[dreg:$0x1] =	wrdreg $0xFFFFFFFF  }
0xc2: {  	[dreg:$0x0] =	wrdreg $0x60  }
0xc3: {  	[dreg:$0x2] =	wrdreg s24  }
0xc4: {  	[dreg:$0x3] =	wrdreg s17  }
0xc5: {  	[dreg:$0x4] =	wrdreg $0x9  }
0xc6: {  	_ =	task.clear_ibuf [dreg:s22], $0x5FFFF;
	_ =	strace $0x90000049  }
0xc7: {  	s29 =	simm.s32 $0x9;
	_ =	strace $0x8000004B  }
0xc8: {  	_ =	swait.ge [sflag:s29], $0x1  }
0xc9: {  	[sflag:s29] =	ssyncadd.s32 $0xFFFFFFFF  }
0xca: {  	_ =	strace $0x9000004B  }
0xcb: {  	_ =	sfence  }
0xcc: {  	s30 =	sld [smem:$0x0];
	_ =	sdelay $0x2  }
0xcd: {  	s31 =	sshll.u32 s1, $0xD;
	s1 =	sshrl.u32 s1, $0x2  }
0xce: {  	s4 =	sand.u32 $0x4000, s31;
	s1 =	sadd.s32 s1, s30  }
0xcf: {  	s0 =	sor.u32 s4, s0;
	s1 =	sshll.u32 s1, $0x11  }
0xd0: {  	s0 =	sor.u32 s1, s0  }
0xd1: {  	s0 =	sadd.s32 $0x8F2B, s0  }
0xd2: {  	[sflag:s0] =	ssyncadd.remote.s32 $0x1  }
0xd3: {  	_ =	sfence.sel $0xFFFF  }
0xd4: {  	[dreg:$0x0] =	wrdreg $0xFFFFFFFF;
	(pc) =	sbr.abs _section_cstart, $3  }
0xd5: {  	[dreg:$0x1] =	wrdreg $0xFFFFFFFF  }
0xd6: {  	_ =	task.clear_ibuf [dreg:s22], $0x2FFFF;
	_ =	strace $0x9FFFFFFF  }
0xd7: {  	(tm) =	ssettm $0x7FFFFFFF  }
tec
execute0_lowered:
.L_overlay_start_1:
0x0: {  	(tag) =	ssettag $0x1  }
0x1: {  	s7 =	rddreg [dreg:$0x0]  }
0x2: {  	s2 =	rddreg [dreg:$0x1]  }
0x3: {  	s0 =	rddreg [dreg:$0x2]  }
0x4: {  	s1 =	srdreg.scid;
	_ =	strace $0x8000004A;
	s4 =	simm.s32 $0x1  }
0x5: {  	s9 =	simm.s32 $0x3;
	s12 =	simm.s32 $0x0;
	s5 =	sshll.u32 s1, $0x4  }
.Ltmp0:
0x6: {  	s1 =	stileid.u32;
	s5 =	sand.u32 $0x10, s5;
	(pc) =	sbr.rel .LBB2_1-.Ltmp0, $4  }
0x7: {  	s10 =	simm.s32 $0x0;
	s3 =	sadd.s32 $0x4B000, s7;
	s6 =	sor.u32 s1, s5  }
0x8: {  	[sflag:s4] =	ssyncpa.u1 $0x0;
	s5 =	simm.s32 $0x2;
	s6 =	sshll.u32 s6, $0x6  }
0x9: {  	s7 =	sadd.s32 $0x42E00, s7;
	[sflag:s5] =	ssyncpa.u1 $0x0;
	s8 =	sadd.s32 $0x40, s6  }
0xa: {  	vm0 =	vmmov $0xff;
	vm1 =	vcmask $0x3F20;
	[sflag:s9] =	ssyncpa.u1 $0x0;
	s9 =	simm.s32 $0x40;
	s11 =	smov.u32 s6  }
.LBB2_9:
0xb: {  	p0 =	seq.s32 s10, $0x2  }
.Ltmp1:
0xc: {  	_ = 	snop;
	(pc) =	sbr.rel @p0 .LBB2_11-.Ltmp1, $1  }
0xd: {  	_ =	sdelay $0x3  }
.LBB2_10:
0xe: {  	s12 =	sadd.s32 $0x40, s11  }
0xf: {  	s13 =	smov.u32 s6;
	p0 =	slt.s32 s12, s8  }
0x10: {  	s13 =	smov.u32 @p0 s12  }
0x11: {  	s10 =	sadd.s32 $0x1, s10;
	s12 =	smov.u32 s11;
	s11 =	smov.u32 s13  }
.LBB2_1:
0x12: {  	p0 =	sne.s32 s10, $0x0  }
.Ltmp2:
0x13: {  	_ = 	snop;
	(pc) =	sbr.rel @!p0 .LBB2_2-.Ltmp2, $1  }
0x14: {  	_ =	sdelay $0x3  }
0x15: {  	s13 =	sand.u32 $0x1, s10  }
0x16: {  	p0 =	seq.s32 s13, $0x0  }
.Ltmp3:
0x17: {  	_ = 	snop;
	(pc) =	sbr.rel @p0 .LBB2_9-.Ltmp3, $1  }
0x18: {  	_ =	sdelay $0x3  }
0x19: {  	_ =	swait.ge [sflag:s5], $0x40  }
0x1a: {  	[sflag:s5] =	ssyncset.done $0x0  }
0x1b: {  	s13 =	simm.s32 $0x0;
	[sflag:s5] =	ssyncadd.s32 $0xFFFFFFC0  }
0x1c: {  	v0 =	vld.msk [tilespmem:s13+$0x40 ss:$0x1], $0xffff;
	_ =	sdelay $0x4  }
0x1d: {  	v1 =	vshll.u32 v0, $0x4  }
0x1e: {  	vm2 =	veq.s32 v0, $0x80000000;
	v0 =	vshll.u32 v0, $0x12;
	v1 =	vand.u32 $0x3FF80, v1  }
0x1f: {  	v0 =	vand.u32 $0x1C0000, v0;
	v1 =	vsel vm2, $0xFFFFFF80, v1  }
0x20: {  	v0 =	vsel vm2, $0xFFFC0000, v0;
	v2 =	vand.u32 $0xFFFFFC00, v1  }
0x21: {  	v1 =	vand.u32 $0x380, v1;
	v0 =	vadd.s32 v0, v2  }
0x22: {  	v0 =	vor.u32 v1, v0  }
0x23: {  	v0 =	vshrl.u32 v0, $0x3;
	_ =	sdelay $0x3  }
0x24: {  	s13 =	simm.s32 $0x2080  }
0x25: {  	[tilespmem:s13], [sflag:$0x1] =	stream.indirect_vreg.gather [hbm:s3], $0x80, v0, vm0, $0x38;
	[tilespmem:$0x4080] =	vst v63  }
0x26: {  	s14 =	simm.s32 $0x2480;
	s31 =	simm.s32 $0x10  }
0x27: {  	[tilespmem:s14], [sflag:$0x1] =	stream.indirect_vreg.gather [hbm:s3], $0x80, v0, vm1, $0x38;
	[tilespmem:$0x4080] =	vst v63  }
0x28: {  	s14 =	simm.s32 $0x80;
	v0 =	vld.msk [tilespmem:s31+$0x40 ss:$0x1], $0xffff  }
.LBB2_5:
0x29: {  	p0 =	sne.s32 s14, $0xC0;
	_ =	sdelay $0x4  }
0x2a: {  	v1 =	vshll.u32 v0, $0x4  }
0x2b: {  	vm2 =	veq.s32 v0, $0x80000000;
	v0 =	vshll.u32 v0, $0x12;
	v1 =	vand.u32 $0x3FF80, v1  }
0x2c: {  	v0 =	vand.u32 $0x1C0000, v0;
	v1 =	vsel vm2, $0xFFFFFF80, v1  }
0x2d: {  	v0 =	vsel vm2, $0xFFFC0000, v0;
	v2 =	vand.u32 $0xFFFFFC00, v1  }
0x2e: {  	v1 =	vand.u32 $0x380, v1;
	v0 =	vadd.s32 v0, v2  }
0x2f: {  	v0 =	vor.u32 v1, v0  }
0x30: {  	v0 =	vshrl.u32 v0, $0x3;
	_ =	sdelay $0x3  }
.Ltmp4:
0x31: {  	s13 =	sadd.s32 $0x800, s13;
	(pc) =	sbr.rel @p0 .LBB2_5-.Ltmp4, $4  }
0x32: {  	[tilespmem:s13], [sflag:$0x1] =	stream.indirect_vreg.gather [hbm:s3], $0x80, v0, vm0, $0x38;
	[tilespmem:$0x4080] =	vst v63  }
0x33: {  	s15 =	sshra.s32 s14, $0x2;
	s16 =	sadd.s32 $0x400, s13  }
0x34: {  	[tilespmem:s16], [sflag:$0x1] =	stream.indirect_vreg.gather [hbm:s3], $0x80, v0, vm1, $0x38;
	[tilespmem:$0x4080] =	vst v63  }
0x35: {  	s14 =	sadd.s32 $0x40, s14;
	v0 =	vld.msk [tilespmem:s15+$0x40 ss:$0x1], $0xffff  }
0x36: {  	_ =	sdelay $0x3  }
0x37: {  	v1 =	vshll.u32 v0, $0x4  }
0x38: {  	vm2 =	veq.s32 v0, $0x80000000;
	v63 =	vshll.u32 v0, $0x12;
	v1 =	vand.u32 $0x3FF80, v1  }
0x39: {  	v0 =	vand.u32 $0x1C0000, v63;
	v1 =	vsel vm2, $0xFFFFFF80, v1  }
0x3a: {  	v0 =	vsel vm2, $0xFFFC0000, v0;
	v2 =	vand.u32 $0xFFFFFC00, v1  }
0x3b: {  	v1 =	vand.u32 $0x380, v1;
	v0 =	vadd.s32 v0, v2  }
0x3c: {  	v0 =	vor.u32 v1, v0  }
0x3d: {  	v0 =	vshrl.u32 v0, $0x3;
	_ =	sdelay $0x3  }
0x3e: {  	s13 =	sadd.s32 $0x800, s13  }
0x3f: {  	[tilespmem:s13], [sflag:$0x1] =	stream.indirect_vreg.gather [hbm:s3], $0x80, v0, vm0, $0x38;
	[tilespmem:$0x4080] =	vst v63  }
0x40: {  	s13 =	sadd.s32 $0x400, s13  }
0x41: {  	[tilespmem:s13], [sflag:$0x1] =	stream.indirect_vreg.gather [hbm:s3], $0x80, v0, vm1, $0x38;
	[tilespmem:$0x4080] =	vst v63  }
0x42: {  	s12 =	sshll.u32 s12, $0x4;
	s14 =	simm.s32 $0x80;
	_ =	swait.ge [sflag:s4], $0x2000  }
0x43: {  	s15 =	simm.s32 $0x2480;
	s12 =	sadd.s32 s12, s2;
	[sflag:s4] =	ssyncset.done $0x0  }
0x44: {  	s16 =	sadd.s32 $0x0, s12;
	s13 =	simm.s32 $0x2080;
	[sflag:s4] =	ssyncadd.s32 $0xFFFFE000  }
.LBB2_7:
0x45: {  	[hbm:s16] =	stream.linear.scatter [tilespmem:s13], [sflag:$0x3], $0x400, $0x38;
	[tilespmem:$0x4080] =	vst v63  }
0x46: {  	s16 =	smov.u32 s14;
	s13 =	smov.u32 s15;
	p0 =	sne.s32 s14, $0x380  }
.Ltmp5:
0x47: {  	s14 =	sadd.s32 $0x80, s14;
	(pc) =	sbr.rel @p0 .LBB2_7-.Ltmp5, $2  }
0x48: {  	_ =	sdelay $0x2  }
0x49: {  	s15 =	sadd.s32 $0x400, s15;
	s16 =	sadd.s32 s16, s12  }
.Ltmp6:
0x4a: {  	(pc) =	sbr.rel .LBB2_9-.Ltmp6, $2  }
0x4b: {  	_ =	sdelay $0x2  }
0x4c: {  	[hbm:s16] =	stream.linear.scatter [tilespmem:s13], [sflag:$0x3], $0x400, $0x38;
	[tilespmem:$0x4080] =	vst v63  }
.LBB2_2:
.Ltmp7:
0x4d: {  	(pc) =	sbr.rel .LBB2_10-.Ltmp7, $4  }
0x4e: {  	_ = 	snop  }
0x4f: {  	s12 =	sshrl.u32 s11, $0x3  }
0x50: {  	s13 =	sand.u32 $0x7, s11;
	s12 =	sadd.s32 s7, s12  }
0x51: {  	[tilespmem:s9], [sflag:$0x2] =	stream.linear.gather [hbm4b:s12+s13], $0x40, $0x38;
	[tilespmem:$0x4080] =	vst v63  }
.LBB2_11:
0x52: {  	s2 =	simm.s32 $0x3  }
0x53: {  	_ =	swait.ge [sflag:s2], $0x2000  }
0x54: {  	[sflag:s2] =	ssyncset.done $0x0  }
0x55: {  	[sflag:s2] =	ssyncadd.s32 $0xFFFFE000  }
0x56: {  	_ =	sfence.sel $0x180000  }
0x57: {  	s3 =	simm.s32 $0x2;
	[bflag:$0x0] =	sbarrier.arrive $0xFFFF  }
0x58: {  	[sflag:s3] =	ssyncpa.u1 $0x1  }
0x59: {  	s31 =	simm.s32 $0x1;
	[sflag:s2] =	ssyncpa.u1 $0x1  }
0x5a: {  	[sflag:s31] =	ssyncpa.u1 $0x1  }
0x5b: {  	p0 =	sne.s32 s1, $0x0;
	_ =	strace $0x9000004A  }
0x5c: {  	s0 =	sadd.s32 @!p0 $0x100000, s0;
	[bflag:$0x2] =	sbarrier.arrive $0xFFFF  }
0x5d: {  	[sflag:s0] =	ssyncadd.tile.s32 @!p0 $0x1;
	_ =	shalt  }
.Lfunc_end2:
_tile_overlayer_lowered:
.L_overlay_start_2:
0x5e: {  	(tag) =	ssettag $0x2  }
0x5f: {  	s0 =	rddreg [dreg:$0x0];
	s2 =	stileid.u32  }
0x60: {  	s1 =	rddreg [dreg:$0x1];
	p0 =	sne.s32 s2, $0x0  }
0x61: {  	s3 =	rddreg [dreg:$0x2];
	[bflag:$0x3] =	sbarrier.arrive $0xFFFF;
	s2 =	simm.s32 @!p0 $0x1C01  }
0x62: {  	[timem:s3], [sflag:s2] =	dma.local @!p0 [hbm:s0], s1  }
0x63: {  	s0 =	simm.s32 @!p0 $0x1  }
0x64: {  	_ =	swait.ge @!p0 [sflag:s0], s1  }
0x65: {  	s1 =	ssub.s32 @!p0 $0x0, s1;
	[sflag:s0] =	ssyncset.done @!p0 $0x0  }
0x66: {  	[sflag:s0] =	ssyncadd.s32 @!p0 s1  }
0x67: {  	[bflag:$0x3] =	sbarrier.arrive $0xFFFF  }
0x68: {  	_ =	shalt  }

// kernel: gather_offload_async_start
scs
__scs_entry_jumppad:
0x0: {  	(pc) =	sbr.rel $0x88, $3  }
0x1: {  	(tag) =	ssettag $0x0;
	lr =	simm.s32 $0x1  }
0x2: {  	[smem:$0x3F99] =	sst lr;
	_ =	strace $0xD0000000  }
0x3: {  	_ = 	snop  }
0x4: {  	_ = 	snop  }
0x5: {  	_ = 	snop  }
0x6: {  	_ = 	snop  }
0x7: {  	_ = 	snop  }
__scs_overlays_trampoline_lowered:
0x8: {  	[smem:$0x3FA8] =	sst s0  }
0x9: {  	[smem:$0x3FA9] =	sst s1  }
0xa: {  	[smem:$0x3FAA] =	sst s2  }
0xb: {  	[smem:$0x3FAB] =	sst s3  }
0xc: {  	[smem:$0x3FAC] =	sst s4  }
0xd: {  	[smem:$0x3FAD] =	sst s5  }
0xe: {  	[smem:$0x3FAE] =	sst s6  }
0xf: {  	[smem:$0x3FAF] =	sst s7  }
0x10: {  	[smem:$0x3FB0] =	sst s8  }
0x11: {  	[smem:$0x3FB1] =	sst s9;
	s0 =	simm.s32 @!p0 $0x0  }
0x12: {  	s1 =	sld [smem:$0x3F97];
	s0 =	simm.s32 @p0 $0x1  }
0x13: {  	[smem:$0x3FB2] =	sst s0;
	s0 =	simm.s32 @!p1 $0x0  }
0x14: {  	s2 =	sld [smem:$0x3F96];
	s0 =	simm.s32 @p1 $0x1  }
0x15: {  	[smem:$0x3FB3] =	sst s0;
	s0 =	simm.s32 @!p2 $0x0  }
0x16: {  	s3 =	sld [smem:$0x3FDB];
	s0 =	simm.s32 @p2 $0x1  }
0x17: {  	s4 =	simm.s32 $0x1BF5;
	[smem:$0x3FB5] =	sst s0  }
0x18: {  	s0 =	sld [smem:$0x3F98];
	_ =	swait.ge [sflag:s4], $0x0  }
0x19: {  	s7 =	sld [smem:$0x3F99]  }
0x1a: {  	s8 =	sadd.s32 $0xFFFFE003, lr  }
0x1b: {  	s9 =	sadd.s32 $0xFFFFFEF7, lr;
	s5 =	simm.s32 $0xFFFFFFFF;
	p2 =	slt.u32 s8, $0xFFFFF086  }
0x1c: {  	p1 =	slt.u32 s9, $0xF7A;
	s5 =	simm.s32 @!p2 $0x0  }
0x1d: {  	s5 =	simm.s32 @p1 $0x1;
	p0 =	seq.s32 s7, s2  }
0x1e: {  	s7 =	smul.u32 @!p0 $0xF7A, s2;
	p2 =	seq.s32 @!p0 s5, $0x0  }
0x1f: {  	s9 =	smul.u32 $0xF7A, s1;
	s8 =	simm.s32 @!p0 $0x1BF5;
	p2 =	por !p2, p0  }
0x20: {  	[sflag:s8] =	ssyncset.s32 @!p0 $0xFFFFF086;
	s6 =	sadd.s32 @!p0 s3, s7;
	s7 =	simm.s32 @!p0 $0x108  }
0x21: {  	s3 =	sadd.s32 s3, s9;
	s6 =	sadd.s32 @!p0 $0x88, s6;
	s7 =	simm.s32 @p2 $0x1082  }
0x22: {  	[simem:s7], [sflag:s8] =	dma.local @!p0 [hbm:s6], $0xF7A  }
0x23: {  	s9 =	sor.u32 $0xD0000000, s2;
	s6 =	simm.s32 $0x108;
	_ =	swait.ge @!p0 [sflag:s8], $0x0  }
0x24: {  	s3 =	sadd.s32 $0x88, s3;
	s6 =	simm.s32 @!p1 $0x1082;
	[sflag:s4] =	ssyncset.s32 $0xFFFFF086  }
0x25: {  	[simem:s6], [sflag:s4] =	dma.local [hbm:s3], $0xF7A  }
0x26: {  	[smem:$0x3F99] =	sst s1;
	(tag) =	ssettag s2;
	_ =	strace s9  }
0x27: {  	s1 =	sld [smem:$0x3FA9]  }
0x28: {  	s2 =	sld [smem:$0x3FAA]  }
0x29: {  	s4 =	sld [smem:$0x3FAC]  }
0x2a: {  	p0 =	seq.s32 s5, $0x0;
	s5 =	sld [smem:$0x3FAD]  }
0x2b: {  	s6 =	sld [smem:$0x3FAE]  }
0x2c: {  	s7 =	sld [smem:$0x3FAF]  }
0x2d: {  	s3 =	simm.s32 $0x108;
	s8 =	sld [smem:$0x3FB0]  }
0x2e: {  	s3 =	simm.s32 @!p0 $0x1082;
	s9 =	sld [smem:$0x3FB1]  }
0x2f: {  	lr =	sadd.s32 s0, s3;
	s0 =	sld [smem:$0x3FA8]  }
0x30: {  	s3 =	sld [smem:$0x3FAB]  }
0x31: {  	[smem:$0x3FB4] =	sst s10  }
0x32: {  	s10 =	sld [smem:$0x3FB2];
	_ =	sdelay $0x3  }
0x33: {  	p0 =	seq.s32 s10, $0x1;
	s10 =	sld [smem:$0x3FB4];
	_ =	sdelay $0x3  }
0x34: {  	[smem:$0x3FB4] =	sst s10  }
0x35: {  	s10 =	sld [smem:$0x3FB3];
	_ =	sdelay $0x3  }
0x36: {  	p1 =	seq.s32 s10, $0x1;
	s10 =	sld [smem:$0x3FB4];
	_ =	sdelay $0x3  }
0x37: {  	[smem:$0x3FB4] =	sst s10  }
0x38: {  	s10 =	sld [smem:$0x3FB5]  }
0x39: {  	_ = 	snop;
	(pc) =	sbr.ind lr, $3  }
0x3a: {  	_ = 	snop  }
0x3b: {  	_ = 	snop  }
0x3c: {  	p2 =	seq.s32 s10, $0x1;
	s10 =	sld [smem:$0x3FB4]  }
0x3d: {  	_ =	shalt  }
0x3e: {  	_ =	shalt  }
0x3f: {  	_ =	shalt  }
0x40: {  	_ =	shalt  }
0x41: {  	_ =	shalt  }
0x42: {  	_ =	shalt  }
0x43: {  	_ =	shalt  }
0x44: {  	_ =	shalt  }
0x45: {  	_ =	shalt  }
0x46: {  	_ =	shalt  }
0x47: {  	_ =	shalt  }
0x48: {  	_ =	shalt  }
0x49: {  	_ =	shalt  }
0x4a: {  	_ =	shalt  }
0x4b: {  	_ =	shalt  }
0x4c: {  	_ =	shalt  }
0x4d: {  	_ =	shalt  }
0x4e: {  	_ =	shalt  }
0x4f: {  	_ =	shalt  }
0x50: {  	_ =	shalt  }
0x51: {  	_ =	shalt  }
0x52: {  	_ =	shalt  }
0x53: {  	_ =	shalt  }
0x54: {  	_ =	shalt  }
0x55: {  	_ =	shalt  }
0x56: {  	_ =	shalt  }
0x57: {  	_ =	shalt  }
0x58: {  	_ =	shalt  }
0x59: {  	_ =	shalt  }
0x5a: {  	_ =	shalt  }
0x5b: {  	_ =	shalt  }
0x5c: {  	_ =	shalt  }
0x5d: {  	_ =	shalt  }
0x5e: {  	_ =	shalt  }
0x5f: {  	_ =	shalt  }
0x60: {  	_ =	shalt  }
0x61: {  	_ =	shalt  }
0x62: {  	_ =	shalt  }
0x63: {  	_ =	shalt  }
0x64: {  	_ =	shalt  }
0x65: {  	_ =	shalt  }
0x66: {  	_ =	shalt  }
0x67: {  	_ =	shalt  }
0x68: {  	_ =	shalt  }
0x69: {  	_ =	shalt  }
0x6a: {  	_ =	shalt  }
0x6b: {  	_ =	shalt  }
0x6c: {  	_ =	shalt  }
0x6d: {  	_ =	shalt  }
0x6e: {  	_ =	shalt  }
0x6f: {  	_ =	shalt  }
0x70: {  	_ =	shalt  }
0x71: {  	_ =	shalt  }
0x72: {  	_ =	shalt  }
0x73: {  	_ =	shalt  }
0x74: {  	_ =	shalt  }
0x75: {  	_ =	shalt  }
0x76: {  	_ =	shalt  }
0x77: {  	_ =	shalt  }
0x78: {  	_ =	shalt  }
0x79: {  	_ =	shalt  }
0x7a: {  	_ =	shalt  }
0x7b: {  	_ =	shalt  }
0x7c: {  	_ =	shalt  }
0x7d: {  	_ =	shalt  }
0x7e: {  	_ =	shalt  }
0x7f: {  	_ =	shalt  }
0x80: {  	_ =	shalt  }
0x81: {  	_ =	shalt  }
0x82: {  	_ =	shalt  }
0x83: {  	_ =	shalt  }
0x84: {  	_ =	shalt  }
0x85: {  	_ =	shalt  }
0x86: {  	_ =	shalt  }
0x87: {  	_ =	shalt  }
.Lfunc_end0:
.L_simem_size_0:
called_computation_lowered:
.L_overlay_start_0:
0x88: {  	s2 =	sld [smem:$0x3FD9]  }
0x89: {  	s3 =	sld [smem:$0x3FFE];
	_ =	sdelay $0x1  }
0x8a: {  	s1 =	srdreg.scid  }
0x8b: {  	s0 =	sand.u32 $0x1, s1  }
0x8c: {  	s16 =	sshll.u32 s0, $0xA;
	s2 =	sadd.s32 s3, s2  }
0x8d: {  	s2 =	sadd.s32 s2, s16  }
0x8e: {  	[smem:$0x3FC0] =	sst s2  }
0x8f: {  	_ = 	snop  }
0x90: {  	(tm) =	ssettm $0x1  }
0x91: {  	s17 =	sld [smem:$0x3FFB];
	_ =	sdelay $0x3  }
0x92: {  	_ =	strace s17  }
0x93: {  	s2 =	sld [smem:$0x3FFC];
	_ =	sdelay $0x3  }
0x94: {  	_ =	strace s2  }
0x95: {  	s2 =	sld [smem:$0x3FFD];
	_ =	sdelay $0x3  }
0x96: {  	_ =	strace s2  }
0x97: {  	_ =	strace $0x8FFFFFFF  }
0x98: {  	s18 =	sld [smem:$0x3FDB];
	_ =	sdelay $0x1  }
0x99: {  	s19 =	simm.s32 $_scs_section_size  }
0x9a: {  	s4 =	simm.s32 $_size__tile_overlayer_lowered;
	s5 =	simm.s32 $_tile_overlayer_lowered  }
0x9b: {  	s22 =	simm.s32 $0x1BFF;
	s21 =	sshll.u32 s5, $0x1;
	s2 =	sadd.s32 s19, s18  }
0x9c: {  	s6 =	simm.s32 $0x0;
	s20 =	sshll.u32 s4, $0x1;
	s4 =	sadd.s32 s21, s2  }
0x9d: {  	[timem:s6], [sflag:s22] =	dma.local [hbm:s4], s20  }
0x9e: {  	_ =	swait.ge [sflag:s22], s20  }
0x9f: {  	s3 =	ssub.s32 $0x0, s20;
	[sflag:s22] =	ssyncset.done $0x0  }
0xa0: {  	[sflag:s22] =	ssyncadd.s32 s3;
	_ =	sdelay $0x1  }
0xa1: {  	s23 =	simm.s32 $0x1B8B  }
0xa2: {  	_ =	swait.ge [sflag:s23], $0x1  }
0xa3: {  	[sflag:s23] =	ssyncset.done $0x0  }
0xa4: {  	s25 =	simm.s32 $0x1B8E;
	s24 =	sld [smem:$0x3FFE];
	[sflag:s23] =	ssyncadd.s32 $0xFFFFFFFF  }
0xa5: {  	s26 =	simm.s32 $execute0_lowered;
	[smem:$0x3FD2] =	sst s25  }
0xa6: {  	s4 =	sshll.u32 s26, $0x1;
	_ =	strace $0x80000046;
	[dreg:$0x1] =	wrdreg $0xFFFFFFFF  }
0xa7: {  	s28 =	simm.s32 $_size_execute0_lowered;
	s2 =	sadd.s32 s2, s4;
	[dreg:$0x0] =	wrdreg $0x0  }
0xa8: {  	s4 =	sshll.u32 s28, $0x1;
	[dreg:$0x2] =	wrdreg s2  }
0xa9: {  	[dreg:$0x3] =	wrdreg s4  }
0xaa: {  	[dreg:$0x4] =	wrdreg $0xC0  }
0xab: {  	_ =	task [dreg:s6], $0x5FFFF  }
0xac: {  	[dreg:$0x1] =	wrdreg $0xFFFFFFFF  }
0xad: {  	[dreg:$0x0] =	wrdreg $0x60  }
0xae: {  	[dreg:$0x2] =	wrdreg s24  }
0xaf: {  	[dreg:$0x3] =	wrdreg $0xA  }
0xb0: {  	_ =	task.clear_ibuf [dreg:s6], $0x4FFFF;
	_ =	strace $0x90000046  }
0xb1: {  	s29 =	simm.s32 $0xA;
	_ =	strace $0x80000048  }
0xb2: {  	_ =	swait.ge [sflag:s29], $0x1  }
0xb3: {  	[sflag:s29] =	ssyncadd.s32 $0xFFFFFFFF  }
0xb4: {  	_ =	strace $0x90000048  }
0xb5: {  	_ =	sfence  }
0xb6: {  	s30 =	sld [smem:$0x0];
	_ =	sdelay $0x2  }
0xb7: {  	s31 =	sshll.u32 s1, $0xD;
	s1 =	sshrl.u32 s1, $0x2  }
0xb8: {  	s3 =	sand.u32 $0x4000, s31;
	s1 =	sadd.s32 s1, s30  }
0xb9: {  	s0 =	sor.u32 s3, s0;
	s1 =	sshll.u32 s1, $0x11  }
0xba: {  	s0 =	sor.u32 s1, s0  }
0xbb: {  	s0 =	sadd.s32 $0x8F2B, s0  }
0xbc: {  	[sflag:s0] =	ssyncadd.remote.s32 $0x1  }
0xbd: {  	_ =	sfence.sel $0xFFFF  }
0xbe: {  	[dreg:$0x0] =	wrdreg $0xFFFFFFFF;
	(pc) =	sbr.abs _section_cstart, $3  }
0xbf: {  	[dreg:$0x1] =	wrdreg $0xFFFFFFFF  }
0xc0: {  	_ =	task.clear_ibuf [dreg:s6], $0x2FFFF;
	_ =	strace $0x9FFFFFFF  }
0xc1: {  	(tm) =	ssettm $0x7FFFFFFF  }
tec
execute0_lowered:
.L_overlay_start_1:
0x0: {  	(tag) =	ssettag $0x1  }
0x1: {  	s7 =	rddreg [dreg:$0x0]  }
0x2: {  	s0 =	rddreg [dreg:$0x1];
	_ =	strace $0x80000047  }
0x3: {  	s1 =	srdreg.scid;
	s4 =	simm.s32 $0x1;
	s9 =	simm.s32 $0x3  }
0x4: {  	s12 =	simm.s32 $0x0;
	s10 =	simm.s32 $0x0;
	s5 =	sshll.u32 s1, $0x4  }
.Ltmp0:
0x5: {  	s1 =	stileid.u32;
	s5 =	sand.u32 $0x10, s5;
	(pc) =	sbr.rel .LBB2_1-.Ltmp0, $4  }
0x6: {  	s2 =	sadd.s32 $0x2E00, s7;
	s3 =	sadd.s32 $0x42E00, s7;
	s6 =	sor.u32 s1, s5  }
0x7: {  	[sflag:s4] =	ssyncpa.u1 $0x0;
	s5 =	simm.s32 $0x2;
	s6 =	sshll.u32 s6, $0x6  }
0x8: {  	s7 =	sadd.s32 $0x43000, s7;
	[sflag:s5] =	ssyncpa.u1 $0x0;
	s8 =	sadd.s32 $0x40, s6  }
0x9: {  	vm0 =	vmmov $0xff;
	vm1 =	vcmask $0x3F20;
	[sflag:s9] =	ssyncpa.u1 $0x0;
	s9 =	simm.s32 $0x40;
	s11 =	smov.u32 s6  }
.LBB2_9:
0xa: {  	p0 =	seq.s32 s10, $0x2  }
.Ltmp1:
0xb: {  	_ = 	snop;
	(pc) =	sbr.rel @p0 .LBB2_11-.Ltmp1, $1  }
0xc: {  	_ =	sdelay $0x3  }
.LBB2_10:
0xd: {  	s12 =	sadd.s32 $0x40, s11  }
0xe: {  	s13 =	smov.u32 s6;
	p0 =	slt.s32 s12, s8  }
0xf: {  	s13 =	smov.u32 @p0 s12  }
0x10: {  	s10 =	sadd.s32 $0x1, s10;
	s12 =	smov.u32 s11;
	s11 =	smov.u32 s13  }
.LBB2_1:
0x11: {  	p0 =	sne.s32 s10, $0x0  }
.Ltmp2:
0x12: {  	_ = 	snop;
	(pc) =	sbr.rel @!p0 .LBB2_2-.Ltmp2, $1  }
0x13: {  	_ =	sdelay $0x3  }
0x14: {  	s13 =	sand.u32 $0x1, s10  }
0x15: {  	p0 =	seq.s32 s13, $0x0  }
.Ltmp3:
0x16: {  	_ = 	snop;
	(pc) =	sbr.rel @p0 .LBB2_9-.Ltmp3, $1  }
0x17: {  	_ =	sdelay $0x3  }
0x18: {  	_ =	swait.ge [sflag:s5], $0x40  }
0x19: {  	[sflag:s5] =	ssyncset.done $0x0  }
0x1a: {  	s13 =	simm.s32 $0x0;
	[sflag:s5] =	ssyncadd.s32 $0xFFFFFFC0  }
0x1b: {  	v0 =	vld.msk [tilespmem:s13+$0x40 ss:$0x1], $0xffff;
	_ =	sdelay $0x4  }
0x1c: {  	v1 =	vshll.u32 v0, $0x4  }
0x1d: {  	vm2 =	veq.s32 v0, $0x80000000;
	v0 =	vshll.u32 v0, $0x12;
	v1 =	vand.u32 $0x3FF80, v1  }
0x1e: {  	v0 =	vand.u32 $0x1C0000, v0;
	v1 =	vsel vm2, $0xFFFFFF80, v1  }
0x1f: {  	v0 =	vsel vm2, $0xFFFC0000, v0;
	v2 =	vand.u32 $0xFFFFFC00, v1  }
0x20: {  	v1 =	vand.u32 $0x380, v1;
	v0 =	vadd.s32 v0, v2  }
0x21: {  	v0 =	vor.u32 v1, v0  }
0x22: {  	v0 =	vshrl.u32 v0, $0x3;
	_ =	sdelay $0x3  }
0x23: {  	s13 =	simm.s32 $0x2080  }
0x24: {  	[tilespmem:s13], [sflag:$0x1] =	stream.indirect_vreg.gather [hbm:s2], $0x80, v0, vm0, $0x38;
	[tilespmem:$0x4080] =	vst v63  }
0x25: {  	s14 =	simm.s32 $0x2480;
	s31 =	simm.s32 $0x10  }
0x26: {  	[tilespmem:s14], [sflag:$0x1] =	stream.indirect_vreg.gather [hbm:s2], $0x80, v0, vm1, $0x38;
	[tilespmem:$0x4080] =	vst v63  }
0x27: {  	s14 =	simm.s32 $0x80;
	v0 =	vld.msk [tilespmem:s31+$0x40 ss:$0x1], $0xffff  }
.LBB2_5:
0x28: {  	p0 =	sne.s32 s14, $0xC0;
	_ =	sdelay $0x4  }
0x29: {  	v1 =	vshll.u32 v0, $0x4  }
0x2a: {  	vm2 =	veq.s32 v0, $0x80000000;
	v0 =	vshll.u32 v0, $0x12;
	v1 =	vand.u32 $0x3FF80, v1  }
0x2b: {  	v0 =	vand.u32 $0x1C0000, v0;
	v1 =	vsel vm2, $0xFFFFFF80, v1  }
0x2c: {  	v0 =	vsel vm2, $0xFFFC0000, v0;
	v2 =	vand.u32 $0xFFFFFC00, v1  }
0x2d: {  	v1 =	vand.u32 $0x380, v1;
	v0 =	vadd.s32 v0, v2  }
0x2e: {  	v0 =	vor.u32 v1, v0  }
0x2f: {  	v0 =	vshrl.u32 v0, $0x3;
	_ =	sdelay $0x3  }
.Ltmp4:
0x30: {  	s13 =	sadd.s32 $0x800, s13;
	(pc) =	sbr.rel @p0 .LBB2_5-.Ltmp4, $4  }
0x31: {  	[tilespmem:s13], [sflag:$0x1] =	stream.indirect_vreg.gather [hbm:s2], $0x80, v0, vm0, $0x38;
	[tilespmem:$0x4080] =	vst v63  }
0x32: {  	s15 =	sshra.s32 s14, $0x2;
	s16 =	sadd.s32 $0x400, s13  }
0x33: {  	[tilespmem:s16], [sflag:$0x1] =	stream.indirect_vreg.gather [hbm:s2], $0x80, v0, vm1, $0x38;
	[tilespmem:$0x4080] =	vst v63  }
0x34: {  	s14 =	sadd.s32 $0x40, s14;
	v0 =	vld.msk [tilespmem:s15+$0x40 ss:$0x1], $0xffff  }
0x35: {  	_ =	sdelay $0x3  }
0x36: {  	v1 =	vshll.u32 v0, $0x4  }
0x37: {  	vm2 =	veq.s32 v0, $0x80000000;
	v63 =	vshll.u32 v0, $0x12;
	v1 =	vand.u32 $0x3FF80, v1  }
0x38: {  	v0 =	vand.u32 $0x1C0000, v63;
	v1 =	vsel vm2, $0xFFFFFF80, v1  }
0x39: {  	v0 =	vsel vm2, $0xFFFC0000, v0;
	v2 =	vand.u32 $0xFFFFFC00, v1  }
0x3a: {  	v1 =	vand.u32 $0x380, v1;
	v0 =	vadd.s32 v0, v2  }
0x3b: {  	v0 =	vor.u32 v1, v0  }
0x3c: {  	v0 =	vshrl.u32 v0, $0x3;
	_ =	sdelay $0x3  }
0x3d: {  	s13 =	sadd.s32 $0x800, s13  }
0x3e: {  	[tilespmem:s13], [sflag:$0x1] =	stream.indirect_vreg.gather [hbm:s2], $0x80, v0, vm0, $0x38;
	[tilespmem:$0x4080] =	vst v63  }
0x3f: {  	s13 =	sadd.s32 $0x400, s13  }
0x40: {  	[tilespmem:s13], [sflag:$0x1] =	stream.indirect_vreg.gather [hbm:s2], $0x80, v0, vm1, $0x38;
	[tilespmem:$0x4080] =	vst v63  }
0x41: {  	s12 =	sshll.u32 s12, $0x4;
	s14 =	simm.s32 $0x80;
	_ =	swait.ge [sflag:s4], $0x2000  }
0x42: {  	s15 =	simm.s32 $0x2480;
	s12 =	sadd.s32 s12, s7;
	[sflag:s4] =	ssyncset.done $0x0  }
0x43: {  	s16 =	sadd.s32 $0x0, s12;
	s13 =	simm.s32 $0x2080;
	[sflag:s4] =	ssyncadd.s32 $0xFFFFE000  }
.LBB2_7:
0x44: {  	[hbm:s16] =	stream.linear.scatter [tilespmem:s13], [sflag:$0x3], $0x400, $0x38;
	[tilespmem:$0x4080] =	vst v63  }
0x45: {  	s16 =	smov.u32 s14;
	s13 =	smov.u32 s15;
	p0 =	sne.s32 s14, $0x380  }
.Ltmp5:
0x46: {  	s14 =	sadd.s32 $0x80, s14;
	(pc) =	sbr.rel @p0 .LBB2_7-.Ltmp5, $2  }
0x47: {  	_ =	sdelay $0x2  }
0x48: {  	s15 =	sadd.s32 $0x400, s15;
	s16 =	sadd.s32 s16, s12  }
.Ltmp6:
0x49: {  	(pc) =	sbr.rel .LBB2_9-.Ltmp6, $2  }
0x4a: {  	_ =	sdelay $0x2  }
0x4b: {  	[hbm:s16] =	stream.linear.scatter [tilespmem:s13], [sflag:$0x3], $0x400, $0x38;
	[tilespmem:$0x4080] =	vst v63  }
.LBB2_2:
.Ltmp7:
0x4c: {  	(pc) =	sbr.rel .LBB2_10-.Ltmp7, $4  }
0x4d: {  	_ = 	snop  }
0x4e: {  	s12 =	sshrl.u32 s11, $0x3  }
0x4f: {  	s13 =	sand.u32 $0x7, s11;
	s12 =	sadd.s32 s3, s12  }
0x50: {  	[tilespmem:s9], [sflag:$0x2] =	stream.linear.gather [hbm4b:s12+s13], $0x40, $0x38;
	[tilespmem:$0x4080] =	vst v63  }
.LBB2_11:
0x51: {  	s2 =	simm.s32 $0x3  }
0x52: {  	_ =	swait.ge [sflag:s2], $0x2000  }
0x53: {  	[sflag:s2] =	ssyncset.done $0x0  }
0x54: {  	[sflag:s2] =	ssyncadd.s32 $0xFFFFE000  }
0x55: {  	_ =	sfence.sel $0x180000  }
0x56: {  	s3 =	simm.s32 $0x2;
	[bflag:$0x0] =	sbarrier.arrive $0xFFFF  }
0x57: {  	[sflag:s3] =	ssyncpa.u1 $0x1  }
0x58: {  	s31 =	simm.s32 $0x1;
	[sflag:s2] =	ssyncpa.u1 $0x1  }
0x59: {  	[sflag:s31] =	ssyncpa.u1 $0x1  }
0x5a: {  	p0 =	sne.s32 s1, $0x0;
	_ =	strace $0x90000047  }
0x5b: {  	s0 =	sadd.s32 @!p0 $0x100000, s0;
	[bflag:$0x2] =	sbarrier.arrive $0xFFFF  }
0x5c: {  	[sflag:s0] =	ssyncadd.tile.s32 @!p0 $0x1;
	_ =	shalt  }
.Lfunc_end2:
_tile_overlayer_lowered:
.L_overlay_start_2:
0x5d: {  	(tag) =	ssettag $0x2  }
0x5e: {  	s0 =	rddreg [dreg:$0x0];
	s2 =	stileid.u32  }
0x5f: {  	s1 =	rddreg [dreg:$0x1];
	p0 =	sne.s32 s2, $0x0  }
0x60: {  	s3 =	rddreg [dreg:$0x2];
	[bflag:$0x3] =	sbarrier.arrive $0xFFFF;
	s2 =	simm.s32 @!p0 $0x1C01  }
0x61: {  	[timem:s3], [sflag:s2] =	dma.local @!p0 [hbm:s0], s1  }
0x62: {  	s0 =	simm.s32 @!p0 $0x1  }
0x63: {  	_ =	swait.ge @!p0 [sflag:s0], s1  }
0x64: {  	s1 =	ssub.s32 @!p0 $0x0, s1;
	[sflag:s0] =	ssyncset.done @!p0 $0x0  }
0x65: {  	[sflag:s0] =	ssyncadd.s32 @!p0 s1  }
0x66: {  	[bflag:$0x3] =	sbarrier.arrive $0xFFFF  }
0x67: {  	_ =	shalt  }

// kernel: kernel.9.cloned.1.call-start
scs
__scs_entry_jumppad:
0x0: {  	(pc) =	sbr.rel $0x88, $3  }
0x1: {  	(tag) =	ssettag $0x0;
	lr =	simm.s32 $0x1  }
0x2: {  	[smem:$0x3F99] =	sst lr;
	_ =	strace $0xD0000000  }
0x3: {  	_ = 	snop  }
0x4: {  	_ = 	snop  }
0x5: {  	_ = 	snop  }
0x6: {  	_ = 	snop  }
0x7: {  	_ = 	snop  }
__scs_overlays_trampoline_lowered:
0x8: {  	[smem:$0x3FA8] =	sst s0  }
0x9: {  	[smem:$0x3FA9] =	sst s1  }
0xa: {  	[smem:$0x3FAA] =	sst s2  }
0xb: {  	[smem:$0x3FAB] =	sst s3  }
0xc: {  	[smem:$0x3FAC] =	sst s4  }
0xd: {  	[smem:$0x3FAD] =	sst s5  }
0xe: {  	[smem:$0x3FAE] =	sst s6  }
0xf: {  	[smem:$0x3FAF] =	sst s7  }
0x10: {  	[smem:$0x3FB0] =	sst s8  }
0x11: {  	[smem:$0x3FB1] =	sst s9;
	s0 =	simm.s32 @!p0 $0x0  }
0x12: {  	s1 =	sld [smem:$0x3F97];
	s0 =	simm.s32 @p0 $0x1  }
0x13: {  	[smem:$0x3FB2] =	sst s0;
	s0 =	simm.s32 @!p1 $0x0  }
0x14: {  	s2 =	sld [smem:$0x3F96];
	s0 =	simm.s32 @p1 $0x1  }
0x15: {  	[smem:$0x3FB3] =	sst s0;
	s0 =	simm.s32 @!p2 $0x0  }
0x16: {  	s3 =	sld [smem:$0x3FDB];
	s0 =	simm.s32 @p2 $0x1  }
0x17: {  	s4 =	simm.s32 $0x1BF5;
	[smem:$0x3FB5] =	sst s0  }
0x18: {  	s0 =	sld [smem:$0x3F98];
	_ =	swait.ge [sflag:s4], $0x0  }
0x19: {  	s7 =	sld [smem:$0x3F99]  }
0x1a: {  	s8 =	sadd.s32 $0xFFFFE003, lr  }
0x1b: {  	s9 =	sadd.s32 $0xFFFFFEF7, lr;
	s5 =	simm.s32 $0xFFFFFFFF;
	p2 =	slt.u32 s8, $0xFFFFF086  }
0x1c: {  	p1 =	slt.u32 s9, $0xF7A;
	s5 =	simm.s32 @!p2 $0x0  }
0x1d: {  	s5 =	simm.s32 @p1 $0x1;
	p0 =	seq.s32 s7, s2  }
0x1e: {  	s7 =	smul.u32 @!p0 $0xF7A, s2;
	p2 =	seq.s32 @!p0 s5, $0x0  }
0x1f: {  	s9 =	smul.u32 $0xF7A, s1;
	s8 =	simm.s32 @!p0 $0x1BF5;
	p2 =	por !p2, p0  }
0x20: {  	[sflag:s8] =	ssyncset.s32 @!p0 $0xFFFFF086;
	s6 =	sadd.s32 @!p0 s3, s7;
	s7 =	simm.s32 @!p0 $0x108  }
0x21: {  	s3 =	sadd.s32 s3, s9;
	s6 =	sadd.s32 @!p0 $0x88, s6;
	s7 =	simm.s32 @p2 $0x1082  }
0x22: {  	[simem:s7], [sflag:s8] =	dma.local @!p0 [hbm:s6], $0xF7A  }
0x23: {  	s9 =	sor.u32 $0xD0000000, s2;
	s6 =	simm.s32 $0x108;
	_ =	swait.ge @!p0 [sflag:s8], $0x0  }
0x24: {  	s3 =	sadd.s32 $0x88, s3;
	s6 =	simm.s32 @!p1 $0x1082;
	[sflag:s4] =	ssyncset.s32 $0xFFFFF086  }
0x25: {  	[simem:s6], [sflag:s4] =	dma.local [hbm:s3], $0xF7A  }
0x26: {  	[smem:$0x3F99] =	sst s1;
	(tag) =	ssettag s2;
	_ =	strace s9  }
0x27: {  	s1 =	sld [smem:$0x3FA9]  }
0x28: {  	s2 =	sld [smem:$0x3FAA]  }
0x29: {  	s4 =	sld [smem:$0x3FAC]  }
0x2a: {  	p0 =	seq.s32 s5, $0x0;
	s5 =	sld [smem:$0x3FAD]  }
0x2b: {  	s6 =	sld [smem:$0x3FAE]  }
0x2c: {  	s7 =	sld [smem:$0x3FAF]  }
0x2d: {  	s3 =	simm.s32 $0x108;
	s8 =	sld [smem:$0x3FB0]  }
0x2e: {  	s3 =	simm.s32 @!p0 $0x1082;
	s9 =	sld [smem:$0x3FB1]  }
0x2f: {  	lr =	sadd.s32 s0, s3;
	s0 =	sld [smem:$0x3FA8]  }
0x30: {  	s3 =	sld [smem:$0x3FAB]  }
0x31: {  	[smem:$0x3FB4] =	sst s10  }
0x32: {  	s10 =	sld [smem:$0x3FB2];
	_ =	sdelay $0x3  }
0x33: {  	p0 =	seq.s32 s10, $0x1;
	s10 =	sld [smem:$0x3FB4];
	_ =	sdelay $0x3  }
0x34: {  	[smem:$0x3FB4] =	sst s10  }
0x35: {  	s10 =	sld [smem:$0x3FB3];
	_ =	sdelay $0x3  }
0x36: {  	p1 =	seq.s32 s10, $0x1;
	s10 =	sld [smem:$0x3FB4];
	_ =	sdelay $0x3  }
0x37: {  	[smem:$0x3FB4] =	sst s10  }
0x38: {  	s10 =	sld [smem:$0x3FB5]  }
0x39: {  	_ = 	snop;
	(pc) =	sbr.ind lr, $3  }
0x3a: {  	_ = 	snop  }
0x3b: {  	_ = 	snop  }
0x3c: {  	p2 =	seq.s32 s10, $0x1;
	s10 =	sld [smem:$0x3FB4]  }
0x3d: {  	_ =	shalt  }
0x3e: {  	_ =	shalt  }
0x3f: {  	_ =	shalt  }
0x40: {  	_ =	shalt  }
0x41: {  	_ =	shalt  }
0x42: {  	_ =	shalt  }
0x43: {  	_ =	shalt  }
0x44: {  	_ =	shalt  }
0x45: {  	_ =	shalt  }
0x46: {  	_ =	shalt  }
0x47: {  	_ =	shalt  }
0x48: {  	_ =	shalt  }
0x49: {  	_ =	shalt  }
0x4a: {  	_ =	shalt  }
0x4b: {  	_ =	shalt  }
0x4c: {  	_ =	shalt  }
0x4d: {  	_ =	shalt  }
0x4e: {  	_ =	shalt  }
0x4f: {  	_ =	shalt  }
0x50: {  	_ =	shalt  }
0x51: {  	_ =	shalt  }
0x52: {  	_ =	shalt  }
0x53: {  	_ =	shalt  }
0x54: {  	_ =	shalt  }
0x55: {  	_ =	shalt  }
0x56: {  	_ =	shalt  }
0x57: {  	_ =	shalt  }
0x58: {  	_ =	shalt  }
0x59: {  	_ =	shalt  }
0x5a: {  	_ =	shalt  }
0x5b: {  	_ =	shalt  }
0x5c: {  	_ =	shalt  }
0x5d: {  	_ =	shalt  }
0x5e: {  	_ =	shalt  }
0x5f: {  	_ =	shalt  }
0x60: {  	_ =	shalt  }
0x61: {  	_ =	shalt  }
0x62: {  	_ =	shalt  }
0x63: {  	_ =	shalt  }
0x64: {  	_ =	shalt  }
0x65: {  	_ =	shalt  }
0x66: {  	_ =	shalt  }
0x67: {  	_ =	shalt  }
0x68: {  	_ =	shalt  }
0x69: {  	_ =	shalt  }
0x6a: {  	_ =	shalt  }
0x6b: {  	_ =	shalt  }
0x6c: {  	_ =	shalt  }
0x6d: {  	_ =	shalt  }
0x6e: {  	_ =	shalt  }
0x6f: {  	_ =	shalt  }
0x70: {  	_ =	shalt  }
0x71: {  	_ =	shalt  }
0x72: {  	_ =	shalt  }
0x73: {  	_ =	shalt  }
0x74: {  	_ =	shalt  }
0x75: {  	_ =	shalt  }
0x76: {  	_ =	shalt  }
0x77: {  	_ =	shalt  }
0x78: {  	_ =	shalt  }
0x79: {  	_ =	shalt  }
0x7a: {  	_ =	shalt  }
0x7b: {  	_ =	shalt  }
0x7c: {  	_ =	shalt  }
0x7d: {  	_ =	shalt  }
0x7e: {  	_ =	shalt  }
0x7f: {  	_ =	shalt  }
0x80: {  	_ =	shalt  }
0x81: {  	_ =	shalt  }
0x82: {  	_ =	shalt  }
0x83: {  	_ =	shalt  }
0x84: {  	_ =	shalt  }
0x85: {  	_ =	shalt  }
0x86: {  	_ =	shalt  }
0x87: {  	_ =	shalt  }
.Lfunc_end0:
.L_simem_size_0:
called_computation.2_lowered:
.L_overlay_start_0:
0x88: {  	s2 =	sld [smem:$0x3FD9]  }
0x89: {  	s3 =	sld [smem:$0x3FFE];
	_ =	sdelay $0x1  }
0x8a: {  	s1 =	srdreg.scid  }
0x8b: {  	s0 =	sand.u32 $0x1, s1  }
0x8c: {  	s17 =	sshll.u32 s0, $0xA;
	s2 =	sadd.s32 s3, s2  }
0x8d: {  	s2 =	sadd.s32 s2, s17  }
0x8e: {  	[smem:$0x3FC0] =	sst s2  }
0x8f: {  	_ = 	snop  }
0x90: {  	(tm) =	ssettm $0x1  }
0x91: {  	s18 =	sld [smem:$0x3FFB];
	_ =	sdelay $0x3  }
0x92: {  	_ =	strace s18  }
0x93: {  	s2 =	sld [smem:$0x3FFC];
	_ =	sdelay $0x3  }
0x94: {  	_ =	strace s2  }
0x95: {  	s2 =	sld [smem:$0x3FFD];
	_ =	sdelay $0x3  }
0x96: {  	_ =	strace s2  }
0x97: {  	_ =	strace $0x8FFFFFFF  }
0x98: {  	s19 =	sld [smem:$0x3FDB];
	_ =	sdelay $0x1  }
0x99: {  	s20 =	simm.s32 $_scs_section_size  }
0x9a: {  	s4 =	simm.s32 $_size__tile_overlayer_lowered;
	s5 =	simm.s32 $_tile_overlayer_lowered  }
0x9b: {  	s6 =	simm.s32 $0x1BFF;
	s21 =	sshll.u32 s5, $0x1;
	s3 =	sadd.s32 s20, s19  }
0x9c: {  	s22 =	simm.s32 $0x0;
	s4 =	sshll.u32 s4, $0x1;
	s5 =	sadd.s32 s21, s3  }
0x9d: {  	[timem:s22], [sflag:s6] =	dma.local [hbm:s5], s4  }
0x9e: {  	_ =	swait.ge [sflag:s6], s4  }
0x9f: {  	s4 =	ssub.s32 $0x0, s4;
	[sflag:s6] =	ssyncset.done $0x0  }
0xa0: {  	[sflag:s6] =	ssyncadd.s32 s4;
	_ =	sdelay $0x1  }
0xa1: {  	s23 =	simm.s32 $0x1B8B  }
0xa2: {  	_ =	swait.ge [sflag:s23], $0x1  }
0xa3: {  	[sflag:s23] =	ssyncset.done $0x0  }
0xa4: {  	[sflag:s23] =	ssyncadd.s32 $0xFFFFFFFF  }
0xa5: {  	s4 =	sld [smem:$0x0]  }
0xa6: {  	s5 =	sand.u32 $0xFFFFFFFE, s1  }
0xa7: {  	p0 =	sne.s32 s1, s5  }
0xa8: {  	s5 =	sshll.u32 @p0 s5, $0xE  }
0xa9: {  	s5 =	sadd.s32 @p0 $0x11B8D, s5;
	s6 =	sshll.u32 @p0 s4, $0x11  }
0xaa: {  	s5 =	sor.u32 @p0 s6, s5  }
0xab: {  	[sflag:s5] =	ssyncadd.remote.s32 @p0 $0x1;
	_ =	sdelay $0x1  }
0xac: {  	s5 =	simm.s32 @p0 $0x1B8D  }
0xad: {  	_ =	swait.eq @p0 [sflag:s5], $0x1  }
0xae: {  	[sflag:s5] =	ssyncadd.s32 @p0 $0xFFFFFFFF  }
0xaf: {  	s6 =	sshll.u32 @!p0 s1, $0xE  }
0xb0: {  	s6 =	sor.u32 @!p0 $0x4000, s6;
	s5 =	simm.s32 @!p0 $0x1B8D  }
0xb1: {  	s4 =	sshll.u32 @!p0 s4, $0x11;
	s6 =	sadd.s32 @!p0 $0x11B8D, s6;
	_ =	swait.eq @!p0 [sflag:s5], $0x1  }
0xb2: {  	s4 =	sor.u32 @!p0 s4, s6;
	[sflag:s5] =	ssyncadd.s32 @!p0 $0xFFFFFFFF  }
0xb3: {  	s25 =	simm.s32 $0x1B8E;
	s24 =	sld [smem:$0x3FFE];
	[sflag:s4] =	ssyncadd.remote.s32 @!p0 $0x1  }
0xb4: {  	s26 =	simm.s32 $execute0_lowered;
	[smem:$0x3FD2] =	sst s25  }
0xb5: {  	s5 =	sshll.u32 s26, $0x1;
	_ =	strace $0x8000004C;
	[dreg:$0x1] =	wrdreg $0xFFFFFFFF  }
0xb6: {  	s28 =	simm.s32 $_size_execute0_lowered;
	s3 =	sadd.s32 s3, s5;
	[dreg:$0x0] =	wrdreg $0x0  }
0xb7: {  	s5 =	sshll.u32 s28, $0x1;
	[dreg:$0x2] =	wrdreg s3  }
0xb8: {  	[dreg:$0x3] =	wrdreg s5  }
0xb9: {  	[dreg:$0x4] =	wrdreg $0xC0  }
0xba: {  	_ =	task [dreg:s22], $0x5FFFF  }
0xbb: {  	[dreg:$0x1] =	wrdreg $0xFFFFFFFF  }
0xbc: {  	[dreg:$0x0] =	wrdreg $0x60  }
0xbd: {  	[dreg:$0x2] =	wrdreg s24  }
0xbe: {  	[dreg:$0x3] =	wrdreg $0xA  }
0xbf: {  	_ =	task.clear_ibuf [dreg:s22], $0x4FFFF;
	_ =	strace $0x9000004C  }
0xc0: {  	s29 =	simm.s32 $0xA;
	_ =	strace $0x8000004E  }
0xc1: {  	_ =	swait.ge [sflag:s29], $0x1  }
0xc2: {  	[sflag:s29] =	ssyncadd.s32 $0xFFFFFFFF  }
0xc3: {  	_ =	strace $0x9000004E  }
0xc4: {  	_ =	sfence  }
0xc5: {  	s30 =	sld [smem:$0x0];
	_ =	sdelay $0x2  }
0xc6: {  	s31 =	sshll.u32 s1, $0xD;
	s1 =	sshrl.u32 s1, $0x2  }
0xc7: {  	s4 =	sand.u32 $0x4000, s31;
	s1 =	sadd.s32 s1, s30  }
0xc8: {  	s0 =	sor.u32 s4, s0;
	s1 =	sshll.u32 s1, $0x11  }
0xc9: {  	s0 =	sor.u32 s1, s0  }
0xca: {  	s0 =	sadd.s32 $0x8F2B, s0  }
0xcb: {  	[sflag:s0] =	ssyncadd.remote.s32 $0x1  }
0xcc: {  	_ =	sfence.sel $0xFFFF  }
0xcd: {  	[dreg:$0x0] =	wrdreg $0xFFFFFFFF;
	(pc) =	sbr.abs _section_cstart, $3  }
0xce: {  	[dreg:$0x1] =	wrdreg $0xFFFFFFFF  }
0xcf: {  	_ =	task.clear_ibuf [dreg:s22], $0x2FFFF;
	_ =	strace $0x9FFFFFFF  }
0xd0: {  	(tm) =	ssettm $0x7FFFFFFF  }
0xd1: {  	_ =	shalt  }
tec
execute0_lowered:
.L_overlay_start_1:
0x0: {  	(tag) =	ssettag $0x1  }
0x1: {  	s1 =	srdreg.scid  }
0x2: {  	s0 =	stileid.u32;
	s21 =	sand.u32 $0x1, s1  }
0x3: {  	s31 =	sshll.u32 s0, $0xC;
	s2 =	sshll.u32 s21, $0xB  }
0x4: {  	s9 =	rddreg [dreg:$0x0];
	s10 =	sor.u32 s2, s31  }
0x5: {  	s1 =	rddreg [dreg:$0x1];
	s2 =	simm.s32 $0x0;
	s3 =	sshrl.u32 s10, $0x3  }
0x6: {  	[smem:$0x7FF] =	sst s2;
	s3 =	sadd.s32 s3, s9  }
0x7: {  	_ =	strace $0x8000004D;
	s4 =	sadd.s32 $0x43000, s3;
	s3 =	simm.s32 $0x2  }
0x8: {  	[tilespmem:s2], [sflag:$0x2] =	stream.linear.gather [hbm4b:s4+s2], $0x800, $0x38;
	[tilespmem:$0x8800] =	vst v63  }
0x9: {  	_ =	swait.ge [sflag:s3], $0x800  }
0xa: {  	s6 =	simm.s32 $0x100;
	s7 =	simm.s32 $0x800;
	[sflag:s3] =	ssyncset.done $0x0  }
0xb: {  	s8 =	simm.s32 $0x1;
	s5 =	sadd.s32 $0x4B000, s9;
	[sflag:s3] =	ssyncadd.s32 $0xFFFFF800  }
0xc: {  	[tilespmem:s7], [sflag:$0x1] =	stream.indirect.gather [hbm4b:s5+s6], $0x80, s2, s6, $0xb8;
	[tilespmem:$0x8800] =	vst v63  }
0xd: {  	s10 =	sshll.u32 s10, $0x4;
	_ =	swait.ge [sflag:s8], $0x8000  }
0xe: {  	s22 =	sadd.s32 s10, s9;
	[sflag:s8] =	ssyncset.done $0x0  }
0xf: {  	s9 =	sadd.s32 $0x8B000, s22;
	[sflag:s8] =	ssyncadd.s32 $0xFFFF8000  }
0x10: {  	[hbm4b:s9+s2] =	stream.linear.scatter [tilespmem:s7], [sflag:$0x2], $0x8000, $0x38;
	[tilespmem:$0x8800] =	vst v63  }
0x11: {  	_ =	swait.ge [sflag:s3], $0x8000  }
0x12: {  	[sflag:s3] =	ssyncset.done $0x0  }
0x13: {  	[sflag:s3] =	ssyncadd.s32 $0xFFFF8000  }
0x14: {  	[tilespmem:s7], [sflag:$0x1] =	stream.indirect.gather [hbm4b:s5+s6], $0x80, s6, s6, $0xb8;
	[tilespmem:$0x8800] =	vst v63  }
0x15: {  	_ =	swait.ge [sflag:s8], $0x8000  }
0x16: {  	[sflag:s8] =	ssyncset.done $0x0  }
0x17: {  	s10 =	sadd.s32 $0x8C000, s22;
	[sflag:s8] =	ssyncadd.s32 $0xFFFF8000  }
0x18: {  	[hbm4b:s10+s2] =	stream.linear.scatter [tilespmem:s7], [sflag:$0x2], $0x8000, $0x38;
	[tilespmem:$0x8800] =	vst v63  }
0x19: {  	_ =	swait.ge [sflag:s3], $0x8000  }
0x1a: {  	[sflag:s3] =	ssyncset.done $0x0  }
0x1b: {  	s11 =	simm.s32 $0x200;
	[sflag:s3] =	ssyncadd.s32 $0xFFFF8000  }
0x1c: {  	[tilespmem:s7], [sflag:$0x1] =	stream.indirect.gather [hbm4b:s5+s6], $0x80, s11, s6, $0xb8;
	[tilespmem:$0x8800] =	vst v63  }
0x1d: {  	_ =	swait.ge [sflag:s8], $0x8000  }
0x1e: {  	[sflag:s8] =	ssyncset.done $0x0  }
0x1f: {  	s12 =	sadd.s32 $0x8D000, s22;
	[sflag:s8] =	ssyncadd.s32 $0xFFFF8000  }
0x20: {  	[hbm4b:s12+s2] =	stream.linear.scatter [tilespmem:s7], [sflag:$0x2], $0x8000, $0x38;
	[tilespmem:$0x8800] =	vst v63  }
0x21: {  	_ =	swait.ge [sflag:s3], $0x8000  }
0x22: {  	[sflag:s3] =	ssyncset.done $0x0  }
0x23: {  	s13 =	simm.s32 $0x300;
	[sflag:s3] =	ssyncadd.s32 $0xFFFF8000  }
0x24: {  	[tilespmem:s7], [sflag:$0x1] =	stream.indirect.gather [hbm4b:s5+s6], $0x80, s13, s6, $0xb8;
	[tilespmem:$0x8800] =	vst v63  }
0x25: {  	_ =	swait.ge [sflag:s8], $0x8000  }
0x26: {  	[sflag:s8] =	ssyncset.done $0x0  }
0x27: {  	s14 =	sadd.s32 $0x8E000, s22;
	[sflag:s8] =	ssyncadd.s32 $0xFFFF8000  }
0x28: {  	[hbm4b:s14+s2] =	stream.linear.scatter [tilespmem:s7], [sflag:$0x2], $0x8000, $0x38;
	[tilespmem:$0x8800] =	vst v63  }
0x29: {  	_ =	swait.ge [sflag:s3], $0x8000  }
0x2a: {  	[sflag:s3] =	ssyncset.done $0x0  }
0x2b: {  	s15 =	simm.s32 $0x400;
	[sflag:s3] =	ssyncadd.s32 $0xFFFF8000  }
0x2c: {  	[tilespmem:s7], [sflag:$0x1] =	stream.indirect.gather [hbm4b:s5+s6], $0x80, s15, s6, $0xb8;
	[tilespmem:$0x8800] =	vst v63  }
0x2d: {  	_ =	swait.ge [sflag:s8], $0x8000  }
0x2e: {  	[sflag:s8] =	ssyncset.done $0x0  }
0x2f: {  	s16 =	sadd.s32 $0x8F000, s22;
	[sflag:s8] =	ssyncadd.s32 $0xFFFF8000  }
0x30: {  	[hbm4b:s16+s2] =	stream.linear.scatter [tilespmem:s7], [sflag:$0x2], $0x8000, $0x38;
	[tilespmem:$0x8800] =	vst v63  }
0x31: {  	_ =	swait.ge [sflag:s3], $0x8000  }
0x32: {  	[sflag:s3] =	ssyncset.done $0x0  }
0x33: {  	s17 =	simm.s32 $0x500;
	[sflag:s3] =	ssyncadd.s32 $0xFFFF8000  }
0x34: {  	[tilespmem:s7], [sflag:$0x1] =	stream.indirect.gather [hbm4b:s5+s6], $0x80, s17, s6, $0xb8;
	[tilespmem:$0x8800] =	vst v63  }
0x35: {  	_ =	swait.ge [sflag:s8], $0x8000  }
0x36: {  	[sflag:s8] =	ssyncset.done $0x0  }
0x37: {  	s18 =	sadd.s32 $0x90000, s22;
	[sflag:s8] =	ssyncadd.s32 $0xFFFF8000  }
0x38: {  	[hbm4b:s18+s2] =	stream.linear.scatter [tilespmem:s7], [sflag:$0x2], $0x8000, $0x38;
	[tilespmem:$0x8800] =	vst v63  }
0x39: {  	_ =	swait.ge [sflag:s3], $0x8000  }
0x3a: {  	[sflag:s3] =	ssyncset.done $0x0  }
0x3b: {  	s19 =	simm.s32 $0x600;
	[sflag:s3] =	ssyncadd.s32 $0xFFFF8000  }
0x3c: {  	[tilespmem:s7], [sflag:$0x1] =	stream.indirect.gather [hbm4b:s5+s6], $0x80, s19, s6, $0xb8;
	[tilespmem:$0x8800] =	vst v63  }
0x3d: {  	_ =	swait.ge [sflag:s8], $0x8000  }
0x3e: {  	[sflag:s8] =	ssyncset.done $0x0  }
0x3f: {  	s23 =	ssub.s32 $0x2, s21;
	s20 =	sadd.s32 $0x91000, s22;
	[sflag:s8] =	ssyncadd.s32 $0xFFFF8000  }
0x40: {  	[hbm4b:s20+s2] =	stream.linear.scatter [tilespmem:s7], [sflag:$0x2], $0x8000, $0x38;
	[tilespmem:$0x8800] =	vst v63  }
0x41: {  	s24 =	sshrl.u32 s23, $0x1;
	_ =	swait.ge [sflag:s3], $0x8000  }
0x42: {  	s23 =	ssub.s32 s23, s24;
	[sflag:s3] =	ssyncset.done $0x0  }
0x43: {  	s21 =	simm.s32 $0x700;
	s23 =	smax.u32 s23, $0x1;
	[sflag:s3] =	ssyncadd.s32 $0xFFFF8000  }
0x44: {  	[tilespmem:s7], [sflag:$0x1] =	stream.indirect.gather [hbm4b:s5+s6], $0x80, s21, s6, $0xb8;
	[tilespmem:$0x8800] =	vst v63  }
0x45: {  	p0 =	sne.s32 s23, $0x1;
	_ =	swait.ge [sflag:s8], $0x8000  }
.Ltmp0:
0x46: {  	[sflag:s8] =	ssyncset.done $0x0;
	(pc) =	sbr.rel @!p0 .LBB2_2-.Ltmp0, $4  }
0x47: {  	s22 =	sadd.s32 $0x92000, s22;
	[sflag:s8] =	ssyncadd.s32 $0xFFFF8000  }
0x48: {  	[hbm4b:s22+s2] =	stream.linear.scatter [tilespmem:s7], [sflag:$0x2], $0x8000, $0x38;
	[tilespmem:$0x8800] =	vst v63  }
0x49: {  	_ =	swait.ge [sflag:s3], $0x8000  }
0x4a: {  	s23 =	sadd.s32 $0xFFFFFFFF, s23;
	[sflag:s3] =	ssyncset.done $0x0  }
.LBB2_1:
0x4b: {  	p0 =	sne.s32 s23, $0x1;
	s23 =	sadd.s32 $0xFFFFFFFF, s23;
	[sflag:s3] =	ssyncadd.s32 $0xFFFF8000  }
0x4c: {  	[tilespmem:s2], [sflag:$0x2] =	stream.linear.gather [hbm4b:s4+s2], $0x800, $0x38;
	[tilespmem:$0x8800] =	vst v63  }
0x4d: {  	_ =	swait.ge [sflag:s3], $0x800  }
0x4e: {  	[sflag:s3] =	ssyncset.done $0x0  }
0x4f: {  	[sflag:s3] =	ssyncadd.s32 $0xFFFFF800  }
0x50: {  	[tilespmem:s7], [sflag:$0x1] =	stream.indirect.gather [hbm4b:s5+s6], $0x80, s2, s6, $0xb8;
	[tilespmem:$0x8800] =	vst v63  }
0x51: {  	_ =	swait.ge [sflag:s8], $0x8000  }
0x52: {  	[sflag:s8] =	ssyncset.done $0x0  }
0x53: {  	[sflag:s8] =	ssyncadd.s32 $0xFFFF8000  }
0x54: {  	[hbm4b:s9+s2] =	stream.linear.scatter [tilespmem:s7], [sflag:$0x2], $0x8000, $0x38;
	[tilespmem:$0x8800] =	vst v63  }
0x55: {  	_ =	swait.ge [sflag:s3], $0x8000  }
0x56: {  	[sflag:s3] =	ssyncset.done $0x0  }
0x57: {  	[sflag:s3] =	ssyncadd.s32 $0xFFFF8000  }
0x58: {  	[tilespmem:s7], [sflag:$0x1] =	stream.indirect.gather [hbm4b:s5+s6], $0x80, s6, s6, $0xb8;
	[tilespmem:$0x8800] =	vst v63  }
0x59: {  	_ =	swait.ge [sflag:s8], $0x8000  }
0x5a: {  	[sflag:s8] =	ssyncset.done $0x0  }
0x5b: {  	[sflag:s8] =	ssyncadd.s32 $0xFFFF8000  }
0x5c: {  	[hbm4b:s10+s2] =	stream.linear.scatter [tilespmem:s7], [sflag:$0x2], $0x8000, $0x38;
	[tilespmem:$0x8800] =	vst v63  }
0x5d: {  	_ =	swait.ge [sflag:s3], $0x8000  }
0x5e: {  	[sflag:s3] =	ssyncset.done $0x0  }
0x5f: {  	[sflag:s3] =	ssyncadd.s32 $0xFFFF8000  }
0x60: {  	[tilespmem:s7], [sflag:$0x1] =	stream.indirect.gather [hbm4b:s5+s6], $0x80, s11, s6, $0xb8;
	[tilespmem:$0x8800] =	vst v63  }
0x61: {  	_ =	swait.ge [sflag:s8], $0x8000  }
0x62: {  	[sflag:s8] =	ssyncset.done $0x0  }
0x63: {  	[sflag:s8] =	ssyncadd.s32 $0xFFFF8000  }
0x64: {  	[hbm4b:s12+s2] =	stream.linear.scatter [tilespmem:s7], [sflag:$0x2], $0x8000, $0x38;
	[tilespmem:$0x8800] =	vst v63  }
0x65: {  	_ =	swait.ge [sflag:s3], $0x8000  }
0x66: {  	[sflag:s3] =	ssyncset.done $0x0  }
0x67: {  	[sflag:s3] =	ssyncadd.s32 $0xFFFF8000  }
0x68: {  	[tilespmem:s7], [sflag:$0x1] =	stream.indirect.gather [hbm4b:s5+s6], $0x80, s13, s6, $0xb8;
	[tilespmem:$0x8800] =	vst v63  }
0x69: {  	_ =	swait.ge [sflag:s8], $0x8000  }
0x6a: {  	[sflag:s8] =	ssyncset.done $0x0  }
0x6b: {  	[sflag:s8] =	ssyncadd.s32 $0xFFFF8000  }
0x6c: {  	[hbm4b:s14+s2] =	stream.linear.scatter [tilespmem:s7], [sflag:$0x2], $0x8000, $0x38;
	[tilespmem:$0x8800] =	vst v63  }
0x6d: {  	_ =	swait.ge [sflag:s3], $0x8000  }
0x6e: {  	[sflag:s3] =	ssyncset.done $0x0  }
0x6f: {  	[sflag:s3] =	ssyncadd.s32 $0xFFFF8000  }
0x70: {  	[tilespmem:s7], [sflag:$0x1] =	stream.indirect.gather [hbm4b:s5+s6], $0x80, s15, s6, $0xb8;
	[tilespmem:$0x8800] =	vst v63  }
0x71: {  	_ =	swait.ge [sflag:s8], $0x8000  }
0x72: {  	[sflag:s8] =	ssyncset.done $0x0  }
0x73: {  	[sflag:s8] =	ssyncadd.s32 $0xFFFF8000  }
0x74: {  	[hbm4b:s16+s2] =	stream.linear.scatter [tilespmem:s7], [sflag:$0x2], $0x8000, $0x38;
	[tilespmem:$0x8800] =	vst v63  }
0x75: {  	_ =	swait.ge [sflag:s3], $0x8000  }
0x76: {  	[sflag:s3] =	ssyncset.done $0x0  }
0x77: {  	[sflag:s3] =	ssyncadd.s32 $0xFFFF8000  }
0x78: {  	[tilespmem:s7], [sflag:$0x1] =	stream.indirect.gather [hbm4b:s5+s6], $0x80, s17, s6, $0xb8;
	[tilespmem:$0x8800] =	vst v63  }
0x79: {  	_ =	swait.ge [sflag:s8], $0x8000  }
0x7a: {  	[sflag:s8] =	ssyncset.done $0x0  }
0x7b: {  	[sflag:s8] =	ssyncadd.s32 $0xFFFF8000  }
0x7c: {  	[hbm4b:s18+s2] =	stream.linear.scatter [tilespmem:s7], [sflag:$0x2], $0x8000, $0x38;
	[tilespmem:$0x8800] =	vst v63  }
0x7d: {  	_ =	swait.ge [sflag:s3], $0x8000  }
0x7e: {  	[sflag:s3] =	ssyncset.done $0x0  }
0x7f: {  	[sflag:s3] =	ssyncadd.s32 $0xFFFF8000  }
0x80: {  	[tilespmem:s7], [sflag:$0x1] =	stream.indirect.gather [hbm4b:s5+s6], $0x80, s19, s6, $0xb8;
	[tilespmem:$0x8800] =	vst v63  }
0x81: {  	_ =	swait.ge [sflag:s8], $0x8000  }
0x82: {  	[sflag:s8] =	ssyncset.done $0x0  }
0x83: {  	[sflag:s8] =	ssyncadd.s32 $0xFFFF8000  }
0x84: {  	[hbm4b:s20+s2] =	stream.linear.scatter [tilespmem:s7], [sflag:$0x2], $0x8000, $0x38;
	[tilespmem:$0x8800] =	vst v63  }
0x85: {  	_ =	swait.ge [sflag:s3], $0x8000  }
0x86: {  	[sflag:s3] =	ssyncset.done $0x0  }
0x87: {  	[sflag:s3] =	ssyncadd.s32 $0xFFFF8000  }
0x88: {  	[tilespmem:s7], [sflag:$0x1] =	stream.indirect.gather [hbm4b:s5+s6], $0x80, s21, s6, $0xb8;
	[tilespmem:$0x8800] =	vst v63  }
0x89: {  	_ =	swait.ge [sflag:s8], $0x8000  }
.Ltmp1:
0x8a: {  	[sflag:s8] =	ssyncset.done $0x0;
	(pc) =	sbr.rel @p0 .LBB2_1-.Ltmp1, $4  }
0x8b: {  	[sflag:s8] =	ssyncadd.s32 $0xFFFF8000  }
0x8c: {  	[hbm4b:s22+s2] =	stream.linear.scatter [tilespmem:s7], [sflag:$0x2], $0x8000, $0x38;
	[tilespmem:$0x8800] =	vst v63  }
0x8d: {  	_ =	swait.ge [sflag:s3], $0x8000  }
0x8e: {  	[sflag:s3] =	ssyncset.done $0x0  }
.LBB2_2:
0x8f: {  	[sflag:s3] =	ssyncadd.s32 $0xFFFF8000  }
0x90: {  	_ =	sfence.sel $0x180000  }
0x91: {  	[bflag:$0x0] =	sbarrier.arrive $0xFFFF  }
0x92: {  	p0 =	sne.s32 s0, $0x0;
	_ =	strace $0x9000004D  }
0x93: {  	s0 =	sadd.s32 @!p0 $0x100000, s1;
	[bflag:$0x2] =	sbarrier.arrive $0xFFFF  }
0x94: {  	[sflag:s0] =	ssyncadd.tile.s32 @!p0 $0x1;
	_ =	shalt  }
.Lfunc_end2:
_tile_overlayer_lowered:
.L_overlay_start_2:
0x95: {  	(tag) =	ssettag $0x2  }
0x96: {  	s0 =	rddreg [dreg:$0x0];
	s2 =	stileid.u32  }
0x97: {  	s1 =	rddreg [dreg:$0x1];
	p0 =	sne.s32 s2, $0x0  }
0x98: {  	s3 =	rddreg [dreg:$0x2];
	[bflag:$0x3] =	sbarrier.arrive $0xFFFF;
	s2 =	simm.s32 @!p0 $0x1C02  }
0x99: {  	[timem:s3], [sflag:s2] =	dma.local @!p0 [hbm:s0], s1  }
0x9a: {  	s0 =	simm.s32 @!p0 $0x2  }
0x9b: {  	_ =	swait.ge @!p0 [sflag:s0], s1  }
0x9c: {  	s1 =	ssub.s32 @!p0 $0x0, s1;
	[sflag:s0] =	ssyncset.done @!p0 $0x0  }
0x9d: {  	[sflag:s0] =	ssyncadd.s32 @!p0 s1  }
0x9e: {  	[bflag:$0x3] =	sbarrier.arrive $0xFFFF  }
0x9f: {  	_ =	shalt  }

</sc_bundles>
